<compile_context>
chip_gen: v7x
topology: tpu7x:2x2x1
jax: 0.10.2.dev20260603
libtpu: 0.0.44.dev20260713+nightly
codegen_flags: <defaults>
</compile_context>

<pallas_src>
import functools

import jax
import jax.numpy as jnp
from jax import lax
from jax.experimental import pallas as pl
from jax.experimental.pallas import tpu as pltpu
from jax.experimental.pallas import tpu_sc as plsc

N = 10000
FEAT = 128
G = 64
NC = 2
NS = 16
NW = NC * NS
CHUNK = 128
N_PAD = 10112
RPT = N_PAD // NS


def _sc_agg(K):
  mesh = plsc.VectorSubcoreMesh(core_axis_name="c", subcore_axis_name="s")

  NPASS = 2
  HK = K // NPASS

  def body(src_hbm, dst_hbm, xr_hbm, zeros_hbm, out_hbm,
           shared, src_v, dst_v, rows_a, rows_b, sem_a, sem_b, sem_c):
    c = lax.axis_index("c")
    s = lax.axis_index("s")
    wid = c * NS + s
    pltpu.async_copy(zeros_hbm.at[pl.ds(s * RPT, RPT)],
                     shared.at[pl.ds(s * RPT, RPT)], sem_c)
    pltpu.async_copy(src_hbm.at[pl.ds(wid * K * CHUNK, HK * CHUNK)], src_v,
                     sem_a)
    pltpu.async_copy(dst_hbm.at[pl.ds(wid * K, HK)], dst_v, sem_b)
    pltpu.make_async_copy(src_hbm.at[pl.ds(0, HK * CHUNK)], src_v,
                          sem_a).wait()
    pltpu.make_async_copy(dst_hbm.at[pl.ds(0, HK)], dst_v, sem_b).wait()
    pltpu.make_async_copy(zeros_hbm.at[pl.ds(0, RPT)],
                          shared.at[pl.ds(0, RPT)], sem_c).wait()
    plsc.subcore_barrier()

    for p in range(NPASS):
      if p > 0:
        base = wid * K + p * HK
        pltpu.sync_copy(src_hbm.at[pl.ds(base * CHUNK, HK * CHUNK)], src_v)
        pltpu.sync_copy(dst_hbm.at[pl.ds(base, HK)], dst_v)

      def sidx(j):
        return src_v.at[pl.ds(j * CHUNK, CHUNK)]

      pltpu.async_copy(xr_hbm.at[sidx(0)], rows_a, sem_a)

      def step(i, carry):
        j0 = 2 * i
        pltpu.async_copy(xr_hbm.at[sidx(j0 + 1)], rows_b, sem_b)
        pltpu.make_async_copy(xr_hbm.at[sidx(j0)], rows_a, sem_a).wait()
        pltpu.sync_copy(rows_a, shared.at[dst_v.at[j0]], add=True)
        jn = lax.min(j0 + 2, HK - 1)
        pltpu.async_copy(xr_hbm.at[sidx(jn)], rows_a, sem_a)
        pltpu.make_async_copy(xr_hbm.at[sidx(j0 + 1)], rows_b, sem_b
                              ).wait()
        pltpu.sync_copy(rows_b, shared.at[dst_v.at[j0 + 1]], add=True)
        return carry

      lax.fori_loop(0, HK // 2, step, 0)
      pltpu.make_async_copy(xr_hbm.at[sidx(HK - 1)], rows_a, sem_a).wait()

    plsc.subcore_barrier()
    pltpu.sync_copy(shared.at[pl.ds(s * RPT, RPT)],
                    out_hbm.at[pl.ds(c * N_PAD + s * RPT, RPT)])

  return pl.kernel(
      body,
      mesh=mesh,
      out_type=jax.ShapeDtypeStruct((NC * N_PAD, FEAT), jnp.float32),
      scratch_types=[
          pltpu.VMEM_SHARED((N_PAD, FEAT), jnp.float32),
          pltpu.VMEM((HK * CHUNK,), jnp.int32),
          pltpu.VMEM((HK, CHUNK), jnp.int32),
          pltpu.VMEM((CHUNK, FEAT), jnp.float32),
          pltpu.VMEM((CHUNK, FEAT), jnp.float32),
          pltpu.SemaphoreType.DMA,
          pltpu.SemaphoreType.DMA,
          pltpu.SemaphoreType.DMA,
      ],
  )


def _mm_t(a, w_ref):
  return lax.dot_general(a, w_ref[...], (((1,), (1,)), ((), ())),
                         preferred_element_type=jnp.float32)


def _tc_pre(x_ref, w_ref, o_ref):
  o_ref[...] = _mm_t(x_ref[...], w_ref)


def _tc_mid(p_ref, x_ref, wroot_ref, wrel2_ref, b1_ref, x1_ref, xr2_ref):
  p = p_ref[pl.ds(0, N), :] + p_ref[pl.ds(N_PAD, N), :]
  x1 = jnp.tanh(p + b1_ref[...] + _mm_t(x_ref[...], wroot_ref))
  x1_ref[...] = x1
  xr2_ref[...] = _mm_t(x1, wrel2_ref)


def _tc_post(p_ref, x1_ref, wroot2_ref, b2_ref, batch_ref, o_ref):
  p = p_ref[pl.ds(0, N), :] + p_ref[pl.ds(N_PAD, N), :]
  x2 = jnp.tanh(p + b2_ref[...] + _mm_t(x1_ref[...], wroot2_ref))
  onehot = (batch_ref[...] == lax.broadcasted_iota(jnp.int32, (N, G), 1)
            ).astype(jnp.float32)
  sums = lax.dot_general(onehot, x2, (((0,), (0,)), ((), ())),
                         preferred_element_type=jnp.float32)
  counts = jnp.sum(onehot, axis=0)
  o_ref[...] = sums / jnp.maximum(counts, 1.0)[:, None]


def kernel(x, edge_index, batch, W1_rel, b1_rel, W1_root, W2_rel, b2_rel,
           W2_root):
  src = edge_index[0]
  dst = edge_index[1]
  E = src.shape[0]
  K = -(-E // (NW * CHUNK))
  K = -(-K // 8) * 8
  pad = NW * CHUNK * K - E
  pad_ar = jnp.arange(pad, dtype=jnp.int32)
  src_p = jnp.concatenate([src, pad_ar % N])
  dst_p = jnp.concatenate(
      [dst, N + pad_ar % (N_PAD - N)]).reshape(NW * K, CHUNK)
  zeros = jnp.zeros((N_PAD, FEAT), jnp.float32)

  xr1 = pl.pallas_call(
      _tc_pre,
      out_shape=jax.ShapeDtypeStruct((N, FEAT), jnp.float32),
  )(x, W1_rel)

  agg1 = _sc_agg(K)(src_p, dst_p, xr1, zeros)

  x1, xr2 = pl.pallas_call(
      _tc_mid,
      out_shape=[jax.ShapeDtypeStruct((N, FEAT), jnp.float32)] * 2,
  )(agg1, x, W1_root, W2_rel, b1_rel.reshape(1, FEAT))

  agg2 = _sc_agg(K)(src_p, dst_p, xr2, zeros)

  xout = pl.pallas_call(
      _tc_post,
      out_shape=jax.ShapeDtypeStruct((G, FEAT), jnp.float32),
  )(agg2, x1, W2_root, b2_rel.reshape(1, FEAT), batch.reshape(N, 1))
  return xout

# --- scband reference (transcript-rebuilt; emitter-appended) ---
"""Pipeline reference for scband-critic-gn-33930241638933 (READ-ONLY COPY).

The authoritative reference and input builder live on the scoring server;
editing this copy changes nothing except your own understanding.
"""

import jax, jax.numpy as jnp
import numpy as np

N = 10000
E = 320000
D = 128
H = 128
O = 128
G = 64


def setup_inputs(seed: int = 0) -> dict:
    key = jax.random.key(seed)
    ks = jax.random.split(key, 10)
    x = jax.random.normal(ks[0], (N, D), dtype=jnp.float32)
    edge_index = jax.random.randint(ks[1], (2, E), 0, N, dtype=jnp.int32)
    batch = jnp.sort(jax.random.randint(ks[2], (N,), 0, G, dtype=jnp.int32))
    # GraphConv layer 1: lin_rel (with bias) applied to aggregated neighbors,
    # lin_root (no bias) applied to self features. torch Linear convention y = x @ W.T + b
    W1_rel = jax.random.normal(ks[3], (H, D), dtype=jnp.float32) * 0.05
    b1_rel = jax.random.normal(ks[4], (H,), dtype=jnp.float32) * 0.05
    W1_root = jax.random.normal(ks[5], (H, D), dtype=jnp.float32) * 0.05
    # GraphConv layer 2
    W2_rel = jax.random.normal(ks[6], (O, H), dtype=jnp.float32) * 0.05
    b2_rel = jax.random.normal(ks[7], (O,), dtype=jnp.float32) * 0.05
    W2_root = jax.random.normal(ks[8], (O, H), dtype=jnp.float32) * 0.05
    return {
        "x": x,
        "edge_index": edge_index,
        "batch": batch,
        "W1_rel": W1_rel,
        "b1_rel": b1_rel,
        "W1_root": W1_root,
        "W2_rel": W2_rel,
        "b2_rel": b2_rel,
        "W2_root": W2_root,
    }


def reference(x, edge_index, batch, W1_rel, b1_rel, W1_root, W2_rel, b2_rel, W2_root):
    src = edge_index[0]
    dst = edge_index[1]
    # GraphConv(aggr='add'): out = lin_rel(sum_{j in N(i)} x_j) + lin_root(x_i)
    agg1 = jax.ops.segment_sum(jnp.take(x, src, axis=0), dst, num_segments=N)
    x1 = jnp.tanh(agg1 @ W1_rel.T + b1_rel + x @ W1_root.T)
    agg2 = jax.ops.segment_sum(jnp.take(x1, src, axis=0), dst, num_segments=N)
    x2 = jnp.tanh(agg2 @ W2_rel.T + b2_rel + x1 @ W2_root.T)
    # global_mean_pool over graph ids
    sums = jax.ops.segment_sum(x2, batch, num_segments=G)
    counts = jax.ops.segment_sum(jnp.ones((N,), dtype=x2.dtype), batch, num_segments=G)
    xout = sums / jnp.maximum(counts, 1.0)[:, None]
    return xout

if __name__ == "__main__":
    import jax
    _d = setup_inputs()
    print(jax.jit(kernel)(*tuple(_d.values())))

</pallas_src>

<mosaic_0001>
#map = affine_map<(d0, d1) -> (0)>
#map1 = affine_map<(d0, d1) -> (0, 0)>
module attributes {stable_mosaic.version = 14 : i64} {
  func.func @body(%arg0: i32, %arg1: i32, %arg2: memref<327680xi32, #tpu.memory_space<hbm>>, %arg3: memref<2560x128xi32, #tpu.memory_space<hbm>>, %arg4: memref<10000x128xf32, #tpu.memory_space<hbm>>, %arg5: memref<10112x128xf32, #tpu.memory_space<hbm>>, %arg6: memref<20224x128xf32, #tpu.memory_space<hbm>>, %arg7: memref<10112x128xf32, #tpu.memory_space<vmem_shared>>, %arg8: memref<5120xi32, #tpu.memory_space<vmem>>, %arg9: memref<40x128xi32, #tpu.memory_space<vmem>>, %arg10: memref<128x128xf32, #tpu.memory_space<vmem>>, %arg11: memref<128x128xf32, #tpu.memory_space<vmem>>, %arg12: memref<!tpu.dma_semaphore, #tpu.memory_space<semaphore_mem>>, %arg13: memref<!tpu.dma_semaphore, #tpu.memory_space<semaphore_mem>>, %arg14: memref<!tpu.dma_semaphore, #tpu.memory_space<semaphore_mem>>) attributes {dimension_semantics = [#tpu.dimension_semantics<core_parallel>, #tpu.dimension_semantics<subcore_parallel>], iteration_bounds = array<i64: 2, 16>, scalar_prefetch = 0 : i64, scratch_operands = 8 : i64, tpu.core_type = #tpu.core_type<sc_vector_subcore>, window_params = [{transform_indices = #map}, {transform_indices = #map1}, {transform_indices = #map1}, {transform_indices = #map1}, {transform_indices = #map1}]} {
    %mul3A = arith.constant 16 : i32
    %mul3A_0 = arith.muli %arg0, %mul3A : i32
    %add3A = arith.addi %mul3A_0, %arg1 : i32
    %mul3A_1 = arith.constant 632 : i32
    %mul3A_2 = arith.muli %arg1, %mul3A_1 : i32
    %mul3A_3 = arith.constant 632 : i32
    %mul3A_4 = arith.muli %arg1, %mul3A_3 : i32
    %dma_start3A = arith.constant 0 : i32
    %dma_start3A_5 = tpu.memref_slice %arg7[%mul3A_4, %dma_start3A] : memref<10112x128xf32, #tpu.memory_space<vmem_shared>> -> memref<632x128xf32, #tpu.memory_space<vmem_shared>>
    %dma_start3A_6 = arith.constant 0 : i32
    %dma_start3A_7 = tpu.memref_slice %arg5[%mul3A_2, %dma_start3A_6] : memref<10112x128xf32, #tpu.memory_space<hbm>> -> memref<632x128xf32, #tpu.memory_space<hbm>>
    tpu.enqueue_dma source(%dma_start3A_7 : memref<632x128xf32, #tpu.memory_space<hbm>>) target(%dma_start3A_5 : memref<632x128xf32, #tpu.memory_space<vmem_shared>>) target_semaphore(%arg14 : memref<!tpu.dma_semaphore, #tpu.memory_space<semaphore_mem>>)
    %mul3A_8 = arith.constant 80 : i32
    %mul3A_9 = arith.muli %add3A, %mul3A_8 : i32
    %mul3A_10 = arith.constant 128 : i32
    %mul3A_11 = arith.muli %mul3A_9, %mul3A_10 : i32
    %dma_start3A_12 = tpu.memref_slice %arg2[%mul3A_11] : memref<327680xi32, #tpu.memory_space<hbm>> -> memref<5120xi32, #tpu.memory_space<hbm>>
    %dma_start3A_13 = tpu.memref_slice %arg2[%mul3A_11] : memref<327680xi32, #tpu.memory_space<hbm>> -> memref<5120xi32, #tpu.memory_space<hbm>>
    tpu.enqueue_dma source(%dma_start3A_13 : memref<5120xi32, #tpu.memory_space<hbm>>) target(%arg8 : memref<5120xi32, #tpu.memory_space<vmem>>) target_semaphore(%arg12 : memref<!tpu.dma_semaphore, #tpu.memory_space<semaphore_mem>>)
    %mul3A_14 = arith.constant 80 : i32
    %mul3A_15 = arith.muli %add3A, %mul3A_14 : i32
    %dma_start3A_16 = arith.constant 0 : i32
    %dma_start3A_17 = tpu.memref_slice %arg3[%mul3A_15, %dma_start3A_16] : memref<2560x128xi32, #tpu.memory_space<hbm>> -> memref<40x128xi32, #tpu.memory_space<hbm>>
    %dma_start3A_18 = arith.constant 0 : i32
    %dma_start3A_19 = tpu.memref_slice %arg3[%mul3A_15, %dma_start3A_18] : memref<2560x128xi32, #tpu.memory_space<hbm>> -> memref<40x128xi32, #tpu.memory_space<hbm>>
    tpu.enqueue_dma source(%dma_start3A_19 : memref<40x128xi32, #tpu.memory_space<hbm>>) target(%arg9 : memref<40x128xi32, #tpu.memory_space<vmem>>) target_semaphore(%arg13 : memref<!tpu.dma_semaphore, #tpu.memory_space<semaphore_mem>>)
    %dma_wait3A = arith.constant 0 : i32
    %dma_wait3A_20 = tpu.memref_slice %arg2[%dma_wait3A] : memref<327680xi32, #tpu.memory_space<hbm>> -> memref<5120xi32, #tpu.memory_space<hbm>>
    %dma_wait3A_21 = arith.constant 0 : i32
    %dma_wait3A_22 = tpu.memref_slice %arg2[%dma_wait3A_21] : memref<327680xi32, #tpu.memory_space<hbm>> -> memref<5120xi32, #tpu.memory_space<hbm>>
    tpu.wait_dma2 semaphore(%arg12 : memref<!tpu.dma_semaphore, #tpu.memory_space<semaphore_mem>>) src(%dma_wait3A_22 : memref<5120xi32, #tpu.memory_space<hbm>>) dst(%arg8 : memref<5120xi32, #tpu.memory_space<vmem>>)
    %dma_wait3A_23 = arith.constant 0 : i32
    %dma_wait3A_24 = arith.constant 0 : i32
    %dma_wait3A_25 = tpu.memref_slice %arg3[%dma_wait3A_23, %dma_wait3A_24] : memref<2560x128xi32, #tpu.memory_space<hbm>> -> memref<40x128xi32, #tpu.memory_space<hbm>>
    %dma_wait3A_26 = arith.constant 0 : i32
    %dma_wait3A_27 = arith.constant 0 : i32
    %dma_wait3A_28 = tpu.memref_slice %arg3[%dma_wait3A_26, %dma_wait3A_27] : memref<2560x128xi32, #tpu.memory_space<hbm>> -> memref<40x128xi32, #tpu.memory_space<hbm>>
    tpu.wait_dma2 semaphore(%arg13 : memref<!tpu.dma_semaphore, #tpu.memory_space<semaphore_mem>>) src(%dma_wait3A_28 : memref<40x128xi32, #tpu.memory_space<hbm>>) dst(%arg9 : memref<40x128xi32, #tpu.memory_space<vmem>>)
    %dma_wait3A_29 = arith.constant 0 : i32
    %dma_wait3A_30 = arith.constant 0 : i32
    %dma_wait3A_31 = tpu.memref_slice %arg7[%dma_wait3A_29, %dma_wait3A_30] : memref<10112x128xf32, #tpu.memory_space<vmem_shared>> -> memref<632x128xf32, #tpu.memory_space<vmem_shared>>
    %dma_wait3A_32 = arith.constant 0 : i32
    %dma_wait3A_33 = arith.constant 0 : i32
    %dma_wait3A_34 = tpu.memref_slice %arg5[%dma_wait3A_32, %dma_wait3A_33] : memref<10112x128xf32, #tpu.memory_space<hbm>> -> memref<632x128xf32, #tpu.memory_space<hbm>>
    tpu.wait_dma2 semaphore(%arg14 : memref<!tpu.dma_semaphore, #tpu.memory_space<semaphore_mem>>) src(%dma_wait3A_34 : memref<632x128xf32, #tpu.memory_space<hbm>>) dst(%dma_wait3A_31 : memref<632x128xf32, #tpu.memory_space<vmem_shared>>)
    %barrier3A = arith.constant 0 : index
    tpu.barrier barrier_id(%barrier3A)
    %dma_start3A_35 = arith.constant 0 : i32
    %dma_start3A_36 = tpu.memref_slice %arg8[%dma_start3A_35] : memref<5120xi32, #tpu.memory_space<vmem>> -> memref<128xi32, #tpu.memory_space<vmem>>
    %dma_start3A_37 = arith.constant 0 : i32
    %dma_start3A_38 = arith.constant 0 : i32
    %dma_start3A_39 = tpu.memref_slice %arg4[%dma_start3A_37, %dma_start3A_38] : memref<10000x128xf32, #tpu.memory_space<hbm>> -> memref<10000x128xf32, #tpu.memory_space<hbm>>
    tpu.enqueue_indirect_dma source(%dma_start3A_39 : memref<10000x128xf32, #tpu.memory_space<hbm>>) target(%arg10 : memref<128x128xf32, #tpu.memory_space<vmem>>) offsets(%dma_start3A_36 : memref<128xi32, #tpu.memory_space<vmem>>) semaphore(%arg12 : memref<!tpu.dma_semaphore, #tpu.memory_space<semaphore_mem>>)
    %scan3A = arith.constant 0 : i32
    %scan3A_40 = arith.constant 0 : i32
    %scan3A_41 = arith.constant 20 : i32
    %scan3A_42 = arith.addi %scan3A_40, %scan3A_41 : i32
    %scan3A_43 = arith.constant 1 : i32
    scf.for %scan3A_80 = %scan3A_40 to %scan3A_42 step %scan3A_43  : i32 {
      %mul3A_81 = arith.constant 2 : i32
      %mul3A_82 = arith.muli %mul3A_81, %scan3A_80 : i32
      %add3A_83 = arith.constant 1 : i32
      %add3A_84 = arith.addi %mul3A_82, %add3A_83 : i32
      %mul3A_85 = arith.constant 128 : i32
      %mul3A_86 = arith.muli %add3A_84, %mul3A_85 : i32
      %dma_start3A_87 = tpu.memref_slice %arg8[%mul3A_86] : memref<5120xi32, #tpu.memory_space<vmem>> -> memref<128xi32, #tpu.memory_space<vmem>>
      %dma_start3A_88 = arith.constant 0 : i32
      %dma_start3A_89 = arith.constant 0 : i32
      %dma_start3A_90 = tpu.memref_slice %arg4[%dma_start3A_88, %dma_start3A_89] : memref<10000x128xf32, #tpu.memory_space<hbm>> -> memref<10000x128xf32, #tpu.memory_space<hbm>>
      tpu.enqueue_indirect_dma source(%dma_start3A_90 : memref<10000x128xf32, #tpu.memory_space<hbm>>) target(%arg11 : memref<128x128xf32, #tpu.memory_space<vmem>>) offsets(%dma_start3A_87 : memref<128xi32, #tpu.memory_space<vmem>>) semaphore(%arg13 : memref<!tpu.dma_semaphore, #tpu.memory_space<semaphore_mem>>)
      %mul3A_91 = arith.constant 128 : i32
      %mul3A_92 = arith.muli %mul3A_82, %mul3A_91 : i32
      %dma_wait3A_93 = tpu.memref_slice %arg8[%mul3A_92] : memref<5120xi32, #tpu.memory_space<vmem>> -> memref<128xi32, #tpu.memory_space<vmem>>
      %dma_wait3A_94 = arith.constant 0 : i32
      %dma_wait3A_95 = arith.constant 0 : i32
      %dma_wait3A_96 = tpu.memref_slice %arg4[%dma_wait3A_94, %dma_wait3A_95] : memref<10000x128xf32, #tpu.memory_space<hbm>> -> memref<10000x128xf32, #tpu.memory_space<hbm>>
      tpu.wait_indirect_dma semaphore(%arg12 : memref<!tpu.dma_semaphore, #tpu.memory_space<semaphore_mem>>) src(%dma_wait3A_96 : memref<10000x128xf32, #tpu.memory_space<hbm>>) dst(%arg10 : memref<128x128xf32, #tpu.memory_space<vmem>>)
      "tpu.region"() ({
        %run_scoped3A = tpu.sem_alloc : memref<!tpu.dma_semaphore, #tpu.memory_space<semaphore_mem>>
        %dma_start3A_116 = arith.constant 0 : i32
        %dma_start3A_117 = tpu.memref_slice %arg9[%mul3A_82, %dma_start3A_116] : memref<40x128xi32, #tpu.memory_space<vmem>> -> memref<1x128xi32, #tpu.memory_space<vmem>>
        %dma_start3A_118 = tpu.memref_squeeze %dma_start3A_117 : memref<1x128xi32, #tpu.memory_space<vmem>> -> memref<128xi32, #tpu.memory_space<vmem>>
        %dma_start3A_119 = arith.constant 0 : i32
        %dma_start3A_120 = arith.constant 0 : i32
        %dma_start3A_121 = tpu.memref_slice %arg7[%dma_start3A_119, %dma_start3A_120] : memref<10112x128xf32, #tpu.memory_space<vmem_shared>> -> memref<10112x128xf32, #tpu.memory_space<vmem_shared>>
        tpu.enqueue_indirect_dma source(%arg10 : memref<128x128xf32, #tpu.memory_space<vmem>>) target(%dma_start3A_121 : memref<10112x128xf32, #tpu.memory_space<vmem_shared>>) offsets(%dma_start3A_118 : memref<128xi32, #tpu.memory_space<vmem>>) semaphore(%run_scoped3A : memref<!tpu.dma_semaphore, #tpu.memory_space<semaphore_mem>>) {add = true}
        %dma_wait3A_122 = arith.constant 0 : i32
        %dma_wait3A_123 = tpu.memref_slice %arg9[%mul3A_82, %dma_wait3A_122] : memref<40x128xi32, #tpu.memory_space<vmem>> -> memref<1x128xi32, #tpu.memory_space<vmem>>
        %dma_wait3A_124 = tpu.memref_squeeze %dma_wait3A_123 : memref<1x128xi32, #tpu.memory_space<vmem>> -> memref<128xi32, #tpu.memory_space<vmem>>
        %dma_wait3A_125 = arith.constant 0 : i32
        %dma_wait3A_126 = arith.constant 0 : i32
        %dma_wait3A_127 = tpu.memref_slice %arg7[%dma_wait3A_125, %dma_wait3A_126] : memref<10112x128xf32, #tpu.memory_space<vmem_shared>> -> memref<10112x128xf32, #tpu.memory_space<vmem_shared>>
        tpu.wait_indirect_dma semaphore(%run_scoped3A : memref<!tpu.dma_semaphore, #tpu.memory_space<semaphore_mem>>) src(%arg10 : memref<128x128xf32, #tpu.memory_space<vmem>>) dst(%dma_wait3A_127 : memref<10112x128xf32, #tpu.memory_space<vmem_shared>>)
        tpu.yield
      }) : () -> ()
      %add3A_97 = arith.constant 2 : i32
      %add3A_98 = arith.addi %mul3A_82, %add3A_97 : i32
      %min3A = arith.constant 39 : i32
      %min3A_99 = arith.minsi %add3A_98, %min3A : i32
      %mul3A_100 = arith.constant 128 : i32
      %mul3A_101 = arith.muli %min3A_99, %mul3A_100 : i32
      %dma_start3A_102 = tpu.memref_slice %arg8[%mul3A_101] : memref<5120xi32, #tpu.memory_space<vmem>> -> memref<128xi32, #tpu.memory_space<vmem>>
      %dma_start3A_103 = arith.constant 0 : i32
      %dma_start3A_104 = arith.constant 0 : i32
      %dma_start3A_105 = tpu.memref_slice %arg4[%dma_start3A_103, %dma_start3A_104] : memref<10000x128xf32, #tpu.memory_space<hbm>> -> memref<10000x128xf32, #tpu.memory_space<hbm>>
      tpu.enqueue_indirect_dma source(%dma_start3A_105 : memref<10000x128xf32, #tpu.memory_space<hbm>>) target(%arg10 : memref<128x128xf32, #tpu.memory_space<vmem>>) offsets(%dma_start3A_102 : memref<128xi32, #tpu.memory_space<vmem>>) semaphore(%arg12 : memref<!tpu.dma_semaphore, #tpu.memory_space<semaphore_mem>>)
      %add3A_106 = arith.constant 1 : i32
      %add3A_107 = arith.addi %mul3A_82, %add3A_106 : i32
      %mul3A_108 = arith.constant 128 : i32
      %mul3A_109 = arith.muli %add3A_107, %mul3A_108 : i32
      %dma_wait3A_110 = tpu.memref_slice %arg8[%mul3A_109] : memref<5120xi32, #tpu.memory_space<vmem>> -> memref<128xi32, #tpu.memory_space<vmem>>
      %dma_wait3A_111 = arith.constant 0 : i32
      %dma_wait3A_112 = arith.constant 0 : i32
      %dma_wait3A_113 = tpu.memref_slice %arg4[%dma_wait3A_111, %dma_wait3A_112] : memref<10000x128xf32, #tpu.memory_space<hbm>> -> memref<10000x128xf32, #tpu.memory_space<hbm>>
      tpu.wait_indirect_dma semaphore(%arg13 : memref<!tpu.dma_semaphore, #tpu.memory_space<semaphore_mem>>) src(%dma_wait3A_113 : memref<10000x128xf32, #tpu.memory_space<hbm>>) dst(%arg11 : memref<128x128xf32, #tpu.memory_space<vmem>>)
      %add3A_114 = arith.constant 1 : i32
      %add3A_115 = arith.addi %mul3A_82, %add3A_114 : i32
      "tpu.region"() ({
        %run_scoped3A = tpu.sem_alloc : memref<!tpu.dma_semaphore, #tpu.memory_space<semaphore_mem>>
        %dma_start3A_116 = arith.constant 0 : i32
        %dma_start3A_117 = tpu.memref_slice %arg9[%add3A_115, %dma_start3A_116] : memref<40x128xi32, #tpu.memory_space<vmem>> -> memref<1x128xi32, #tpu.memory_space<vmem>>
        %dma_start3A_118 = tpu.memref_squeeze %dma_start3A_117 : memref<1x128xi32, #tpu.memory_space<vmem>> -> memref<128xi32, #tpu.memory_space<vmem>>
        %dma_start3A_119 = arith.constant 0 : i32
        %dma_start3A_120 = arith.constant 0 : i32
        %dma_start3A_121 = tpu.memref_slice %arg7[%dma_start3A_119, %dma_start3A_120] : memref<10112x128xf32, #tpu.memory_space<vmem_shared>> -> memref<10112x128xf32, #tpu.memory_space<vmem_shared>>
        tpu.enqueue_indirect_dma source(%arg11 : memref<128x128xf32, #tpu.memory_space<vmem>>) target(%dma_start3A_121 : memref<10112x128xf32, #tpu.memory_space<vmem_shared>>) offsets(%dma_start3A_118 : memref<128xi32, #tpu.memory_space<vmem>>) semaphore(%run_scoped3A : memref<!tpu.dma_semaphore, #tpu.memory_space<semaphore_mem>>) {add = true}
        %dma_wait3A_122 = arith.constant 0 : i32
        %dma_wait3A_123 = tpu.memref_slice %arg9[%add3A_115, %dma_wait3A_122] : memref<40x128xi32, #tpu.memory_space<vmem>> -> memref<1x128xi32, #tpu.memory_space<vmem>>
        %dma_wait3A_124 = tpu.memref_squeeze %dma_wait3A_123 : memref<1x128xi32, #tpu.memory_space<vmem>> -> memref<128xi32, #tpu.memory_space<vmem>>
        %dma_wait3A_125 = arith.constant 0 : i32
        %dma_wait3A_126 = arith.constant 0 : i32
        %dma_wait3A_127 = tpu.memref_slice %arg7[%dma_wait3A_125, %dma_wait3A_126] : memref<10112x128xf32, #tpu.memory_space<vmem_shared>> -> memref<10112x128xf32, #tpu.memory_space<vmem_shared>>
        tpu.wait_indirect_dma semaphore(%run_scoped3A : memref<!tpu.dma_semaphore, #tpu.memory_space<semaphore_mem>>) src(%arg11 : memref<128x128xf32, #tpu.memory_space<vmem>>) dst(%dma_wait3A_127 : memref<10112x128xf32, #tpu.memory_space<vmem_shared>>)
        tpu.yield
      }) : () -> ()
    }
    %scan3A_44 = arith.constant 20 : i32
    %dma_wait3A_45 = arith.constant 4992 : i32
    %dma_wait3A_46 = tpu.memref_slice %arg8[%dma_wait3A_45] : memref<5120xi32, #tpu.memory_space<vmem>> -> memref<128xi32, #tpu.memory_space<vmem>>
    %dma_wait3A_47 = arith.constant 0 : i32
    %dma_wait3A_48 = arith.constant 0 : i32
    %dma_wait3A_49 = tpu.memref_slice %arg4[%dma_wait3A_47, %dma_wait3A_48] : memref<10000x128xf32, #tpu.memory_space<hbm>> -> memref<10000x128xf32, #tpu.memory_space<hbm>>
    tpu.wait_indirect_dma semaphore(%arg12 : memref<!tpu.dma_semaphore, #tpu.memory_space<semaphore_mem>>) src(%dma_wait3A_49 : memref<10000x128xf32, #tpu.memory_space<hbm>>) dst(%arg10 : memref<128x128xf32, #tpu.memory_space<vmem>>)
    %mul3A_50 = arith.constant 80 : i32
    %mul3A_51 = arith.muli %add3A, %mul3A_50 : i32
    %add3A_52 = arith.constant 40 : i32
    %add3A_53 = arith.addi %mul3A_51, %add3A_52 : i32
    %mul3A_54 = arith.constant 128 : i32
    %mul3A_55 = arith.muli %add3A_53, %mul3A_54 : i32
    "tpu.region"() ({
      %run_scoped3A = tpu.sem_alloc : memref<!tpu.dma_semaphore, #tpu.memory_space<semaphore_mem>>
      %dma_start3A_80 = tpu.memref_slice %arg2[%mul3A_55] : memref<327680xi32, #tpu.memory_space<hbm>> -> memref<5120xi32, #tpu.memory_space<hbm>>
      %dma_start3A_81 = tpu.memref_slice %arg2[%mul3A_55] : memref<327680xi32, #tpu.memory_space<hbm>> -> memref<5120xi32, #tpu.memory_space<hbm>>
      tpu.enqueue_dma source(%dma_start3A_81 : memref<5120xi32, #tpu.memory_space<hbm>>) target(%arg8 : memref<5120xi32, #tpu.memory_space<vmem>>) target_semaphore(%run_scoped3A : memref<!tpu.dma_semaphore, #tpu.memory_space<semaphore_mem>>)
      %dma_wait3A_82 = tpu.memref_slice %arg2[%mul3A_55] : memref<327680xi32, #tpu.memory_space<hbm>> -> memref<5120xi32, #tpu.memory_space<hbm>>
      %dma_wait3A_83 = tpu.memref_slice %arg2[%mul3A_55] : memref<327680xi32, #tpu.memory_space<hbm>> -> memref<5120xi32, #tpu.memory_space<hbm>>
      tpu.wait_dma2 semaphore(%run_scoped3A : memref<!tpu.dma_semaphore, #tpu.memory_space<semaphore_mem>>) src(%dma_wait3A_83 : memref<5120xi32, #tpu.memory_space<hbm>>) dst(%arg8 : memref<5120xi32, #tpu.memory_space<vmem>>)
      tpu.yield
    }) : () -> ()
    "tpu.region"() ({
      %run_scoped3A = tpu.sem_alloc : memref<!tpu.dma_semaphore, #tpu.memory_space<semaphore_mem>>
      %dma_start3A_80 = arith.constant 0 : i32
      %dma_start3A_81 = tpu.memref_slice %arg3[%add3A_53, %dma_start3A_80] : memref<2560x128xi32, #tpu.memory_space<hbm>> -> memref<40x128xi32, #tpu.memory_space<hbm>>
      %dma_start3A_82 = arith.constant 0 : i32
      %dma_start3A_83 = tpu.memref_slice %arg3[%add3A_53, %dma_start3A_82] : memref<2560x128xi32, #tpu.memory_space<hbm>> -> memref<40x128xi32, #tpu.memory_space<hbm>>
      tpu.enqueue_dma source(%dma_start3A_83 : memref<40x128xi32, #tpu.memory_space<hbm>>) target(%arg9 : memref<40x128xi32, #tpu.memory_space<vmem>>) target_semaphore(%run_scoped3A : memref<!tpu.dma_semaphore, #tpu.memory_space<semaphore_mem>>)
      %dma_wait3A_84 = arith.constant 0 : i32
      %dma_wait3A_85 = tpu.memref_slice %arg3[%add3A_53, %dma_wait3A_84] : memref<2560x128xi32, #tpu.memory_space<hbm>> -> memref<40x128xi32, #tpu.memory_space<hbm>>
      %dma_wait3A_86 = arith.constant 0 : i32
      %dma_wait3A_87 = tpu.memref_slice %arg3[%add3A_53, %dma_wait3A_86] : memref<2560x128xi32, #tpu.memory_space<hbm>> -> memref<40x128xi32, #tpu.memory_space<hbm>>
      tpu.wait_dma2 semaphore(%run_scoped3A : memref<!tpu.dma_semaphore, #tpu.memory_space<semaphore_mem>>) src(%dma_wait3A_87 : memref<40x128xi32, #tpu.memory_space<hbm>>) dst(%arg9 : memref<40x128xi32, #tpu.memory_space<vmem>>)
      tpu.yield
    }) : () -> ()
    %dma_start3A_56 = arith.constant 0 : i32
    %dma_start3A_57 = tpu.memref_slice %arg8[%dma_start3A_56] : memref<5120xi32, #tpu.memory_space<vmem>> -> memref<128xi32, #tpu.memory_space<vmem>>
    %dma_start3A_58 = arith.constant 0 : i32
    %dma_start3A_59 = arith.constant 0 : i32
    %dma_start3A_60 = tpu.memref_slice %arg4[%dma_start3A_58, %dma_start3A_59] : memref<10000x128xf32, #tpu.memory_space<hbm>> -> memref<10000x128xf32, #tpu.memory_space<hbm>>
    tpu.enqueue_indirect_dma source(%dma_start3A_60 : memref<10000x128xf32, #tpu.memory_space<hbm>>) target(%arg10 : memref<128x128xf32, #tpu.memory_space<vmem>>) offsets(%dma_start3A_57 : memref<128xi32, #tpu.memory_space<vmem>>) semaphore(%arg12 : memref<!tpu.dma_semaphore, #tpu.memory_space<semaphore_mem>>)
    %scan3A_61 = arith.constant 0 : i32
    %scan3A_62 = arith.constant 0 : i32
    %scan3A_63 = arith.constant 20 : i32
    %scan3A_64 = arith.addi %scan3A_62, %scan3A_63 : i32
    %scan3A_65 = arith.constant 1 : i32
    scf.for %scan3A_80 = %scan3A_62 to %scan3A_64 step %scan3A_65  : i32 {
      %mul3A_81 = arith.constant 2 : i32
      %mul3A_82 = arith.muli %mul3A_81, %scan3A_80 : i32
      %add3A_83 = arith.constant 1 : i32
      %add3A_84 = arith.addi %mul3A_82, %add3A_83 : i32
      %mul3A_85 = arith.constant 128 : i32
      %mul3A_86 = arith.muli %add3A_84, %mul3A_85 : i32
      %dma_start3A_87 = tpu.memref_slice %arg8[%mul3A_86] : memref<5120xi32, #tpu.memory_space<vmem>> -> memref<128xi32, #tpu.memory_space<vmem>>
      %dma_start3A_88 = arith.constant 0 : i32
      %dma_start3A_89 = arith.constant 0 : i32
      %dma_start3A_90 = tpu.memref_slice %arg4[%dma_start3A_88, %dma_start3A_89] : memref<10000x128xf32, #tpu.memory_space<hbm>> -> memref<10000x128xf32, #tpu.memory_space<hbm>>
      tpu.enqueue_indirect_dma source(%dma_start3A_90 : memref<10000x128xf32, #tpu.memory_space<hbm>>) target(%arg11 : memref<128x128xf32, #tpu.memory_space<vmem>>) offsets(%dma_start3A_87 : memref<128xi32, #tpu.memory_space<vmem>>) semaphore(%arg13 : memref<!tpu.dma_semaphore, #tpu.memory_space<semaphore_mem>>)
      %mul3A_91 = arith.constant 128 : i32
      %mul3A_92 = arith.muli %mul3A_82, %mul3A_91 : i32
      %dma_wait3A_93 = tpu.memref_slice %arg8[%mul3A_92] : memref<5120xi32, #tpu.memory_space<vmem>> -> memref<128xi32, #tpu.memory_space<vmem>>
      %dma_wait3A_94 = arith.constant 0 : i32
      %dma_wait3A_95 = arith.constant 0 : i32
      %dma_wait3A_96 = tpu.memref_slice %arg4[%dma_wait3A_94, %dma_wait3A_95] : memref<10000x128xf32, #tpu.memory_space<hbm>> -> memref<10000x128xf32, #tpu.memory_space<hbm>>
      tpu.wait_indirect_dma semaphore(%arg12 : memref<!tpu.dma_semaphore, #tpu.memory_space<semaphore_mem>>) src(%dma_wait3A_96 : memref<10000x128xf32, #tpu.memory_space<hbm>>) dst(%arg10 : memref<128x128xf32, #tpu.memory_space<vmem>>)
      "tpu.region"() ({
        %run_scoped3A = tpu.sem_alloc : memref<!tpu.dma_semaphore, #tpu.memory_space<semaphore_mem>>
        %dma_start3A_116 = arith.constant 0 : i32
        %dma_start3A_117 = tpu.memref_slice %arg9[%mul3A_82, %dma_start3A_116] : memref<40x128xi32, #tpu.memory_space<vmem>> -> memref<1x128xi32, #tpu.memory_space<vmem>>
        %dma_start3A_118 = tpu.memref_squeeze %dma_start3A_117 : memref<1x128xi32, #tpu.memory_space<vmem>> -> memref<128xi32, #tpu.memory_space<vmem>>
        %dma_start3A_119 = arith.constant 0 : i32
        %dma_start3A_120 = arith.constant 0 : i32
        %dma_start3A_121 = tpu.memref_slice %arg7[%dma_start3A_119, %dma_start3A_120] : memref<10112x128xf32, #tpu.memory_space<vmem_shared>> -> memref<10112x128xf32, #tpu.memory_space<vmem_shared>>
        tpu.enqueue_indirect_dma source(%arg10 : memref<128x128xf32, #tpu.memory_space<vmem>>) target(%dma_start3A_121 : memref<10112x128xf32, #tpu.memory_space<vmem_shared>>) offsets(%dma_start3A_118 : memref<128xi32, #tpu.memory_space<vmem>>) semaphore(%run_scoped3A : memref<!tpu.dma_semaphore, #tpu.memory_space<semaphore_mem>>) {add = true}
        %dma_wait3A_122 = arith.constant 0 : i32
        %dma_wait3A_123 = tpu.memref_slice %arg9[%mul3A_82, %dma_wait3A_122] : memref<40x128xi32, #tpu.memory_space<vmem>> -> memref<1x128xi32, #tpu.memory_space<vmem>>
        %dma_wait3A_124 = tpu.memref_squeeze %dma_wait3A_123 : memref<1x128xi32, #tpu.memory_space<vmem>> -> memref<128xi32, #tpu.memory_space<vmem>>
        %dma_wait3A_125 = arith.constant 0 : i32
        %dma_wait3A_126 = arith.constant 0 : i32
        %dma_wait3A_127 = tpu.memref_slice %arg7[%dma_wait3A_125, %dma_wait3A_126] : memref<10112x128xf32, #tpu.memory_space<vmem_shared>> -> memref<10112x128xf32, #tpu.memory_space<vmem_shared>>
        tpu.wait_indirect_dma semaphore(%run_scoped3A : memref<!tpu.dma_semaphore, #tpu.memory_space<semaphore_mem>>) src(%arg10 : memref<128x128xf32, #tpu.memory_space<vmem>>) dst(%dma_wait3A_127 : memref<10112x128xf32, #tpu.memory_space<vmem_shared>>)
        tpu.yield
      }) : () -> ()
      %add3A_97 = arith.constant 2 : i32
      %add3A_98 = arith.addi %mul3A_82, %add3A_97 : i32
      %min3A = arith.constant 39 : i32
      %min3A_99 = arith.minsi %add3A_98, %min3A : i32
      %mul3A_100 = arith.constant 128 : i32
      %mul3A_101 = arith.muli %min3A_99, %mul3A_100 : i32
      %dma_start3A_102 = tpu.memref_slice %arg8[%mul3A_101] : memref<5120xi32, #tpu.memory_space<vmem>> -> memref<128xi32, #tpu.memory_space<vmem>>
      %dma_start3A_103 = arith.constant 0 : i32
      %dma_start3A_104 = arith.constant 0 : i32
      %dma_start3A_105 = tpu.memref_slice %arg4[%dma_start3A_103, %dma_start3A_104] : memref<10000x128xf32, #tpu.memory_space<hbm>> -> memref<10000x128xf32, #tpu.memory_space<hbm>>
      tpu.enqueue_indirect_dma source(%dma_start3A_105 : memref<10000x128xf32, #tpu.memory_space<hbm>>) target(%arg10 : memref<128x128xf32, #tpu.memory_space<vmem>>) offsets(%dma_start3A_102 : memref<128xi32, #tpu.memory_space<vmem>>) semaphore(%arg12 : memref<!tpu.dma_semaphore, #tpu.memory_space<semaphore_mem>>)
      %add3A_106 = arith.constant 1 : i32
      %add3A_107 = arith.addi %mul3A_82, %add3A_106 : i32
      %mul3A_108 = arith.constant 128 : i32
      %mul3A_109 = arith.muli %add3A_107, %mul3A_108 : i32
      %dma_wait3A_110 = tpu.memref_slice %arg8[%mul3A_109] : memref<5120xi32, #tpu.memory_space<vmem>> -> memref<128xi32, #tpu.memory_space<vmem>>
      %dma_wait3A_111 = arith.constant 0 : i32
      %dma_wait3A_112 = arith.constant 0 : i32
      %dma_wait3A_113 = tpu.memref_slice %arg4[%dma_wait3A_111, %dma_wait3A_112] : memref<10000x128xf32, #tpu.memory_space<hbm>> -> memref<10000x128xf32, #tpu.memory_space<hbm>>
      tpu.wait_indirect_dma semaphore(%arg13 : memref<!tpu.dma_semaphore, #tpu.memory_space<semaphore_mem>>) src(%dma_wait3A_113 : memref<10000x128xf32, #tpu.memory_space<hbm>>) dst(%arg11 : memref<128x128xf32, #tpu.memory_space<vmem>>)
      %add3A_114 = arith.constant 1 : i32
      %add3A_115 = arith.addi %mul3A_82, %add3A_114 : i32
      "tpu.region"() ({
        %run_scoped3A = tpu.sem_alloc : memref<!tpu.dma_semaphore, #tpu.memory_space<semaphore_mem>>
        %dma_start3A_116 = arith.constant 0 : i32
        %dma_start3A_117 = tpu.memref_slice %arg9[%add3A_115, %dma_start3A_116] : memref<40x128xi32, #tpu.memory_space<vmem>> -> memref<1x128xi32, #tpu.memory_space<vmem>>
        %dma_start3A_118 = tpu.memref_squeeze %dma_start3A_117 : memref<1x128xi32, #tpu.memory_space<vmem>> -> memref<128xi32, #tpu.memory_space<vmem>>
        %dma_start3A_119 = arith.constant 0 : i32
        %dma_start3A_120 = arith.constant 0 : i32
        %dma_start3A_121 = tpu.memref_slice %arg7[%dma_start3A_119, %dma_start3A_120] : memref<10112x128xf32, #tpu.memory_space<vmem_shared>> -> memref<10112x128xf32, #tpu.memory_space<vmem_shared>>
        tpu.enqueue_indirect_dma source(%arg11 : memref<128x128xf32, #tpu.memory_space<vmem>>) target(%dma_start3A_121 : memref<10112x128xf32, #tpu.memory_space<vmem_shared>>) offsets(%dma_start3A_118 : memref<128xi32, #tpu.memory_space<vmem>>) semaphore(%run_scoped3A : memref<!tpu.dma_semaphore, #tpu.memory_space<semaphore_mem>>) {add = true}
        %dma_wait3A_122 = arith.constant 0 : i32
        %dma_wait3A_123 = tpu.memref_slice %arg9[%add3A_115, %dma_wait3A_122] : memref<40x128xi32, #tpu.memory_space<vmem>> -> memref<1x128xi32, #tpu.memory_space<vmem>>
        %dma_wait3A_124 = tpu.memref_squeeze %dma_wait3A_123 : memref<1x128xi32, #tpu.memory_space<vmem>> -> memref<128xi32, #tpu.memory_space<vmem>>
        %dma_wait3A_125 = arith.constant 0 : i32
        %dma_wait3A_126 = arith.constant 0 : i32
        %dma_wait3A_127 = tpu.memref_slice %arg7[%dma_wait3A_125, %dma_wait3A_126] : memref<10112x128xf32, #tpu.memory_space<vmem_shared>> -> memref<10112x128xf32, #tpu.memory_space<vmem_shared>>
        tpu.wait_indirect_dma semaphore(%run_scoped3A : memref<!tpu.dma_semaphore, #tpu.memory_space<semaphore_mem>>) src(%arg11 : memref<128x128xf32, #tpu.memory_space<vmem>>) dst(%dma_wait3A_127 : memref<10112x128xf32, #tpu.memory_space<vmem_shared>>)
        tpu.yield
      }) : () -> ()
    }
    %scan3A_66 = arith.constant 20 : i32
    %dma_wait3A_67 = arith.constant 4992 : i32
    %dma_wait3A_68 = tpu.memref_slice %arg8[%dma_wait3A_67] : memref<5120xi32, #tpu.memory_space<vmem>> -> memref<128xi32, #tpu.memory_space<vmem>>
    %dma_wait3A_69 = arith.constant 0 : i32
    %dma_wait3A_70 = arith.constant 0 : i32
    %dma_wait3A_71 = tpu.memref_slice %arg4[%dma_wait3A_69, %dma_wait3A_70] : memref<10000x128xf32, #tpu.memory_space<hbm>> -> memref<10000x128xf32, #tpu.memory_space<hbm>>
    tpu.wait_indirect_dma semaphore(%arg12 : memref<!tpu.dma_semaphore, #tpu.memory_space<semaphore_mem>>) src(%dma_wait3A_71 : memref<10000x128xf32, #tpu.memory_space<hbm>>) dst(%arg10 : memref<128x128xf32, #tpu.memory_space<vmem>>)
    %barrier3A_72 = arith.constant 0 : index
    tpu.barrier barrier_id(%barrier3A_72)
    %mul3A_73 = arith.constant 632 : i32
    %mul3A_74 = arith.muli %arg1, %mul3A_73 : i32
    %mul3A_75 = arith.constant 10112 : i32
    %mul3A_76 = arith.muli %arg0, %mul3A_75 : i32
    %mul3A_77 = arith.constant 632 : i32
    %mul3A_78 = arith.muli %arg1, %mul3A_77 : i32
    %add3A_79 = arith.addi %mul3A_76, %mul3A_78 : i32
    "tpu.region"() ({
      %run_scoped3A = tpu.sem_alloc : memref<!tpu.dma_semaphore, #tpu.memory_space<semaphore_mem>>
      %dma_start3A_80 = arith.constant 0 : i32
      %dma_start3A_81 = tpu.memref_slice %arg6[%add3A_79, %dma_start3A_80] : memref<20224x128xf32, #tpu.memory_space<hbm>> -> memref<632x128xf32, #tpu.memory_space<hbm>>
      %dma_start3A_82 = arith.constant 0 : i32
      %dma_start3A_83 = tpu.memref_slice %arg7[%mul3A_74, %dma_start3A_82] : memref<10112x128xf32, #tpu.memory_space<vmem_shared>> -> memref<632x128xf32, #tpu.memory_space<vmem_shared>>
      tpu.enqueue_dma source(%dma_start3A_83 : memref<632x128xf32, #tpu.memory_space<vmem_shared>>) target(%dma_start3A_81 : memref<632x128xf32, #tpu.memory_space<hbm>>) target_semaphore(%run_scoped3A : memref<!tpu.dma_semaphore, #tpu.memory_space<semaphore_mem>>)
      %dma_wait3A_84 = arith.constant 0 : i32
      %dma_wait3A_85 = tpu.memref_slice %arg6[%add3A_79, %dma_wait3A_84] : memref<20224x128xf32, #tpu.memory_space<hbm>> -> memref<632x128xf32, #tpu.memory_space<hbm>>
      %dma_wait3A_86 = arith.constant 0 : i32
      %dma_wait3A_87 = tpu.memref_slice %arg7[%mul3A_74, %dma_wait3A_86] : memref<10112x128xf32, #tpu.memory_space<vmem_shared>> -> memref<632x128xf32, #tpu.memory_space<vmem_shared>>
      tpu.wait_dma2 semaphore(%run_scoped3A : memref<!tpu.dma_semaphore, #tpu.memory_space<semaphore_mem>>) src(%dma_wait3A_87 : memref<632x128xf32, #tpu.memory_space<vmem_shared>>) dst(%dma_wait3A_85 : memref<632x128xf32, #tpu.memory_space<hbm>>)
      tpu.yield
    }) : () -> ()
    return
  }
}

#map = affine_map<(d0, d1) -> (0)>
#map1 = affine_map<(d0, d1) -> (0, 0)>
module attributes {stable_mosaic.version = 14 : i64} {
  func.func @body(%arg0: i32, %arg1: i32, %arg2: memref<327680xi32, #tpu.memory_space<hbm>>, %arg3: memref<2560x128xi32, #tpu.memory_space<hbm>>, %arg4: memref<10000x128xf32, #tpu.memory_space<hbm>>, %arg5: memref<10112x128xf32, #tpu.memory_space<hbm>>, %arg6: memref<20224x128xf32, #tpu.memory_space<hbm>>, %arg7: memref<10112x128xf32, #tpu.memory_space<vmem_shared>>, %arg8: memref<5120xi32, #tpu.memory_space<vmem>>, %arg9: memref<40x128xi32, #tpu.memory_space<vmem>>, %arg10: memref<128x128xf32, #tpu.memory_space<vmem>>, %arg11: memref<128x128xf32, #tpu.memory_space<vmem>>, %arg12: memref<!tpu.dma_semaphore, #tpu.memory_space<semaphore_mem>>, %arg13: memref<!tpu.dma_semaphore, #tpu.memory_space<semaphore_mem>>, %arg14: memref<!tpu.dma_semaphore, #tpu.memory_space<semaphore_mem>>) attributes {dimension_semantics = [#tpu.dimension_semantics<core_parallel>, #tpu.dimension_semantics<subcore_parallel>], iteration_bounds = array<i64: 2, 16>, scalar_prefetch = 0 : i64, scratch_operands = 8 : i64, tpu.core_type = #tpu.core_type<sc_vector_subcore>, window_params = [{transform_indices = #map}, {transform_indices = #map1}, {transform_indices = #map1}, {transform_indices = #map1}, {transform_indices = #map1}]} {
    %mul3A = arith.constant 16 : i32
    %mul3A_0 = arith.muli %arg0, %mul3A : i32
    %add3A = arith.addi %mul3A_0, %arg1 : i32
    %mul3A_1 = arith.constant 632 : i32
    %mul3A_2 = arith.muli %arg1, %mul3A_1 : i32
    %mul3A_3 = arith.constant 632 : i32
    %mul3A_4 = arith.muli %arg1, %mul3A_3 : i32
    %dma_start3A = arith.constant 0 : i32
    %dma_start3A_5 = tpu.memref_slice %arg7[%mul3A_4, %dma_start3A] : memref<10112x128xf32, #tpu.memory_space<vmem_shared>> -> memref<632x128xf32, #tpu.memory_space<vmem_shared>>
    %dma_start3A_6 = arith.constant 0 : i32
    %dma_start3A_7 = tpu.memref_slice %arg5[%mul3A_2, %dma_start3A_6] : memref<10112x128xf32, #tpu.memory_space<hbm>> -> memref<632x128xf32, #tpu.memory_space<hbm>>
    tpu.enqueue_dma source(%dma_start3A_7 : memref<632x128xf32, #tpu.memory_space<hbm>>) target(%dma_start3A_5 : memref<632x128xf32, #tpu.memory_space<vmem_shared>>) target_semaphore(%arg14 : memref<!tpu.dma_semaphore, #tpu.memory_space<semaphore_mem>>)
    %mul3A_8 = arith.constant 80 : i32
    %mul3A_9 = arith.muli %add3A, %mul3A_8 : i32
    %mul3A_10 = arith.constant 128 : i32
    %mul3A_11 = arith.muli %mul3A_9, %mul3A_10 : i32
    %dma_start3A_12 = tpu.memref_slice %arg2[%mul3A_11] : memref<327680xi32, #tpu.memory_space<hbm>> -> memref<5120xi32, #tpu.memory_space<hbm>>
    %dma_start3A_13 = tpu.memref_slice %arg2[%mul3A_11] : memref<327680xi32, #tpu.memory_space<hbm>> -> memref<5120xi32, #tpu.memory_space<hbm>>
    tpu.enqueue_dma source(%dma_start3A_13 : memref<5120xi32, #tpu.memory_space<hbm>>) target(%arg8 : memref<5120xi32, #tpu.memory_space<vmem>>) target_semaphore(%arg12 : memref<!tpu.dma_semaphore, #tpu.memory_space<semaphore_mem>>)
    %mul3A_14 = arith.constant 80 : i32
    %mul3A_15 = arith.muli %add3A, %mul3A_14 : i32
    %dma_start3A_16 = arith.constant 0 : i32
    %dma_start3A_17 = tpu.memref_slice %arg3[%mul3A_15, %dma_start3A_16] : memref<2560x128xi32, #tpu.memory_space<hbm>> -> memref<40x128xi32, #tpu.memory_space<hbm>>
    %dma_start3A_18 = arith.constant 0 : i32
    %dma_start3A_19 = tpu.memref_slice %arg3[%mul3A_15, %dma_start3A_18] : memref<2560x128xi32, #tpu.memory_space<hbm>> -> memref<40x128xi32, #tpu.memory_space<hbm>>
    tpu.enqueue_dma source(%dma_start3A_19 : memref<40x128xi32, #tpu.memory_space<hbm>>) target(%arg9 : memref<40x128xi32, #tpu.memory_space<vmem>>) target_semaphore(%arg13 : memref<!tpu.dma_semaphore, #tpu.memory_space<semaphore_mem>>)
    %dma_wait3A = arith.constant 0 : i32
    %dma_wait3A_20 = tpu.memref_slice %arg2[%dma_wait3A] : memref<327680xi32, #tpu.memory_space<hbm>> -> memref<5120xi32, #tpu.memory_space<hbm>>
    %dma_wait3A_21 = arith.constant 0 : i32
    %dma_wait3A_22 = tpu.memref_slice %arg2[%dma_wait3A_21] : memref<327680xi32, #tpu.memory_space<hbm>> -> memref<5120xi32, #tpu.memory_space<hbm>>
    tpu.wait_dma2 semaphore(%arg12 : memref<!tpu.dma_semaphore, #tpu.memory_space<semaphore_mem>>) src(%dma_wait3A_22 : memref<5120xi32, #tpu.memory_space<hbm>>) dst(%arg8 : memref<5120xi32, #tpu.memory_space<vmem>>)
    %dma_wait3A_23 = arith.constant 0 : i32
    %dma_wait3A_24 = arith.constant 0 : i32
    %dma_wait3A_25 = tpu.memref_slice %arg3[%dma_wait3A_23, %dma_wait3A_24] : memref<2560x128xi32, #tpu.memory_space<hbm>> -> memref<40x128xi32, #tpu.memory_space<hbm>>
    %dma_wait3A_26 = arith.constant 0 : i32
    %dma_wait3A_27 = arith.constant 0 : i32
    %dma_wait3A_28 = tpu.memref_slice %arg3[%dma_wait3A_26, %dma_wait3A_27] : memref<2560x128xi32, #tpu.memory_space<hbm>> -> memref<40x128xi32, #tpu.memory_space<hbm>>
    tpu.wait_dma2 semaphore(%arg13 : memref<!tpu.dma_semaphore, #tpu.memory_space<semaphore_mem>>) src(%dma_wait3A_28 : memref<40x128xi32, #tpu.memory_space<hbm>>) dst(%arg9 : memref<40x128xi32, #tpu.memory_space<vmem>>)
    %dma_wait3A_29 = arith.constant 0 : i32
    %dma_wait3A_30 = arith.constant 0 : i32
    %dma_wait3A_31 = tpu.memref_slice %arg7[%dma_wait3A_29, %dma_wait3A_30] : memref<10112x128xf32, #tpu.memory_space<vmem_shared>> -> memref<632x128xf32, #tpu.memory_space<vmem_shared>>
    %dma_wait3A_32 = arith.constant 0 : i32
    %dma_wait3A_33 = arith.constant 0 : i32
    %dma_wait3A_34 = tpu.memref_slice %arg5[%dma_wait3A_32, %dma_wait3A_33] : memref<10112x128xf32, #tpu.memory_space<hbm>> -> memref<632x128xf32, #tpu.memory_space<hbm>>
    tpu.wait_dma2 semaphore(%arg14 : memref<!tpu.dma_semaphore, #tpu.memory_space<semaphore_mem>>) src(%dma_wait3A_34 : memref<632x128xf32, #tpu.memory_space<hbm>>) dst(%dma_wait3A_31 : memref<632x128xf32, #tpu.memory_space<vmem_shared>>)
    %barrier3A = arith.constant 0 : index
    tpu.barrier barrier_id(%barrier3A)
    %dma_start3A_35 = arith.constant 0 : i32
    %dma_start3A_36 = tpu.memref_slice %arg8[%dma_start3A_35] : memref<5120xi32, #tpu.memory_space<vmem>> -> memref<128xi32, #tpu.memory_space<vmem>>
    %dma_start3A_37 = arith.constant 0 : i32
    %dma_start3A_38 = arith.constant 0 : i32
    %dma_start3A_39 = tpu.memref_slice %arg4[%dma_start3A_37, %dma_start3A_38] : memref<10000x128xf32, #tpu.memory_space<hbm>> -> memref<10000x128xf32, #tpu.memory_space<hbm>>
    tpu.enqueue_indirect_dma source(%dma_start3A_39 : memref<10000x128xf32, #tpu.memory_space<hbm>>) target(%arg10 : memref<128x128xf32, #tpu.memory_space<vmem>>) offsets(%dma_start3A_36 : memref<128xi32, #tpu.memory_space<vmem>>) semaphore(%arg12 : memref<!tpu.dma_semaphore, #tpu.memory_space<semaphore_mem>>)
    %scan3A = arith.constant 0 : i32
    %scan3A_40 = arith.constant 0 : i32
    %scan3A_41 = arith.constant 20 : i32
    %scan3A_42 = arith.addi %scan3A_40, %scan3A_41 : i32
    %scan3A_43 = arith.constant 1 : i32
    scf.for %scan3A_80 = %scan3A_40 to %scan3A_42 step %scan3A_43  : i32 {
      %mul3A_81 = arith.constant 2 : i32
      %mul3A_82 = arith.muli %mul3A_81, %scan3A_80 : i32
      %add3A_83 = arith.constant 1 : i32
      %add3A_84 = arith.addi %mul3A_82, %add3A_83 : i32
      %mul3A_85 = arith.constant 128 : i32
      %mul3A_86 = arith.muli %add3A_84, %mul3A_85 : i32
      %dma_start3A_87 = tpu.memref_slice %arg8[%mul3A_86] : memref<5120xi32, #tpu.memory_space<vmem>> -> memref<128xi32, #tpu.memory_space<vmem>>
      %dma_start3A_88 = arith.constant 0 : i32
      %dma_start3A_89 = arith.constant 0 : i32
      %dma_start3A_90 = tpu.memref_slice %arg4[%dma_start3A_88, %dma_start3A_89] : memref<10000x128xf32, #tpu.memory_space<hbm>> -> memref<10000x128xf32, #tpu.memory_space<hbm>>
      tpu.enqueue_indirect_dma source(%dma_start3A_90 : memref<10000x128xf32, #tpu.memory_space<hbm>>) target(%arg11 : memref<128x128xf32, #tpu.memory_space<vmem>>) offsets(%dma_start3A_87 : memref<128xi32, #tpu.memory_space<vmem>>) semaphore(%arg13 : memref<!tpu.dma_semaphore, #tpu.memory_space<semaphore_mem>>)
      %mul3A_91 = arith.constant 128 : i32
      %mul3A_92 = arith.muli %mul3A_82, %mul3A_91 : i32
      %dma_wait3A_93 = tpu.memref_slice %arg8[%mul3A_92] : memref<5120xi32, #tpu.memory_space<vmem>> -> memref<128xi32, #tpu.memory_space<vmem>>
      %dma_wait3A_94 = arith.constant 0 : i32
      %dma_wait3A_95 = arith.constant 0 : i32
      %dma_wait3A_96 = tpu.memref_slice %arg4[%dma_wait3A_94, %dma_wait3A_95] : memref<10000x128xf32, #tpu.memory_space<hbm>> -> memref<10000x128xf32, #tpu.memory_space<hbm>>
      tpu.wait_indirect_dma semaphore(%arg12 : memref<!tpu.dma_semaphore, #tpu.memory_space<semaphore_mem>>) src(%dma_wait3A_96 : memref<10000x128xf32, #tpu.memory_space<hbm>>) dst(%arg10 : memref<128x128xf32, #tpu.memory_space<vmem>>)
      "tpu.region"() ({
        %run_scoped3A = tpu.sem_alloc : memref<!tpu.dma_semaphore, #tpu.memory_space<semaphore_mem>>
        %dma_start3A_116 = arith.constant 0 : i32
        %dma_start3A_117 = tpu.memref_slice %arg9[%mul3A_82, %dma_start3A_116] : memref<40x128xi32, #tpu.memory_space<vmem>> -> memref<1x128xi32, #tpu.memory_space<vmem>>
        %dma_start3A_118 = tpu.memref_squeeze %dma_start3A_117 : memref<1x128xi32, #tpu.memory_space<vmem>> -> memref<128xi32, #tpu.memory_space<vmem>>
        %dma_start3A_119 = arith.constant 0 : i32
        %dma_start3A_120 = arith.constant 0 : i32
        %dma_start3A_121 = tpu.memref_slice %arg7[%dma_start3A_119, %dma_start3A_120] : memref<10112x128xf32, #tpu.memory_space<vmem_shared>> -> memref<10112x128xf32, #tpu.memory_space<vmem_shared>>
        tpu.enqueue_indirect_dma source(%arg10 : memref<128x128xf32, #tpu.memory_space<vmem>>) target(%dma_start3A_121 : memref<10112x128xf32, #tpu.memory_space<vmem_shared>>) offsets(%dma_start3A_118 : memref<128xi32, #tpu.memory_space<vmem>>) semaphore(%run_scoped3A : memref<!tpu.dma_semaphore, #tpu.memory_space<semaphore_mem>>) {add = true}
        %dma_wait3A_122 = arith.constant 0 : i32
        %dma_wait3A_123 = tpu.memref_slice %arg9[%mul3A_82, %dma_wait3A_122] : memref<40x128xi32, #tpu.memory_space<vmem>> -> memref<1x128xi32, #tpu.memory_space<vmem>>
        %dma_wait3A_124 = tpu.memref_squeeze %dma_wait3A_123 : memref<1x128xi32, #tpu.memory_space<vmem>> -> memref<128xi32, #tpu.memory_space<vmem>>
        %dma_wait3A_125 = arith.constant 0 : i32
        %dma_wait3A_126 = arith.constant 0 : i32
        %dma_wait3A_127 = tpu.memref_slice %arg7[%dma_wait3A_125, %dma_wait3A_126] : memref<10112x128xf32, #tpu.memory_space<vmem_shared>> -> memref<10112x128xf32, #tpu.memory_space<vmem_shared>>
        tpu.wait_indirect_dma semaphore(%run_scoped3A : memref<!tpu.dma_semaphore, #tpu.memory_space<semaphore_mem>>) src(%arg10 : memref<128x128xf32, #tpu.memory_space<vmem>>) dst(%dma_wait3A_127 : memref<10112x128xf32, #tpu.memory_space<vmem_shared>>)
        tpu.yield
      }) : () -> ()
      %add3A_97 = arith.constant 2 : i32
      %add3A_98 = arith.addi %mul3A_82, %add3A_97 : i32
      %min3A = arith.constant 39 : i32
      %min3A_99 = arith.minsi %add3A_98, %min3A : i32
      %mul3A_100 = arith.constant 128 : i32
      %mul3A_101 = arith.muli %min3A_99, %mul3A_100 : i32
      %dma_start3A_102 = tpu.memref_slice %arg8[%mul3A_101] : memref<5120xi32, #tpu.memory_space<vmem>> -> memref<128xi32, #tpu.memory_space<vmem>>
      %dma_start3A_103 = arith.constant 0 : i32
      %dma_start3A_104 = arith.constant 0 : i32
      %dma_start3A_105 = tpu.memref_slice %arg4[%dma_start3A_103, %dma_start3A_104] : memref<10000x128xf32, #tpu.memory_space<hbm>> -> memref<10000x128xf32, #tpu.memory_space<hbm>>
      tpu.enqueue_indirect_dma source(%dma_start3A_105 : memref<10000x128xf32, #tpu.memory_space<hbm>>) target(%arg10 : memref<128x128xf32, #tpu.memory_space<vmem>>) offsets(%dma_start3A_102 : memref<128xi32, #tpu.memory_space<vmem>>) semaphore(%arg12 : memref<!tpu.dma_semaphore, #tpu.memory_space<semaphore_mem>>)
      %add3A_106 = arith.constant 1 : i32
      %add3A_107 = arith.addi %mul3A_82, %add3A_106 : i32
      %mul3A_108 = arith.constant 128 : i32
      %mul3A_109 = arith.muli %add3A_107, %mul3A_108 : i32
      %dma_wait3A_110 = tpu.memref_slice %arg8[%mul3A_109] : memref<5120xi32, #tpu.memory_space<vmem>> -> memref<128xi32, #tpu.memory_space<vmem>>
      %dma_wait3A_111 = arith.constant 0 : i32
      %dma_wait3A_112 = arith.constant 0 : i32
      %dma_wait3A_113 = tpu.memref_slice %arg4[%dma_wait3A_111, %dma_wait3A_112] : memref<10000x128xf32, #tpu.memory_space<hbm>> -> memref<10000x128xf32, #tpu.memory_space<hbm>>
      tpu.wait_indirect_dma semaphore(%arg13 : memref<!tpu.dma_semaphore, #tpu.memory_space<semaphore_mem>>) src(%dma_wait3A_113 : memref<10000x128xf32, #tpu.memory_space<hbm>>) dst(%arg11 : memref<128x128xf32, #tpu.memory_space<vmem>>)
      %add3A_114 = arith.constant 1 : i32
      %add3A_115 = arith.addi %mul3A_82, %add3A_114 : i32
      "tpu.region"() ({
        %run_scoped3A = tpu.sem_alloc : memref<!tpu.dma_semaphore, #tpu.memory_space<semaphore_mem>>
        %dma_start3A_116 = arith.constant 0 : i32
        %dma_start3A_117 = tpu.memref_slice %arg9[%add3A_115, %dma_start3A_116] : memref<40x128xi32, #tpu.memory_space<vmem>> -> memref<1x128xi32, #tpu.memory_space<vmem>>
        %dma_start3A_118 = tpu.memref_squeeze %dma_start3A_117 : memref<1x128xi32, #tpu.memory_space<vmem>> -> memref<128xi32, #tpu.memory_space<vmem>>
        %dma_start3A_119 = arith.constant 0 : i32
        %dma_start3A_120 = arith.constant 0 : i32
        %dma_start3A_121 = tpu.memref_slice %arg7[%dma_start3A_119, %dma_start3A_120] : memref<10112x128xf32, #tpu.memory_space<vmem_shared>> -> memref<10112x128xf32, #tpu.memory_space<vmem_shared>>
        tpu.enqueue_indirect_dma source(%arg11 : memref<128x128xf32, #tpu.memory_space<vmem>>) target(%dma_start3A_121 : memref<10112x128xf32, #tpu.memory_space<vmem_shared>>) offsets(%dma_start3A_118 : memref<128xi32, #tpu.memory_space<vmem>>) semaphore(%run_scoped3A : memref<!tpu.dma_semaphore, #tpu.memory_space<semaphore_mem>>) {add = true}
        %dma_wait3A_122 = arith.constant 0 : i32
        %dma_wait3A_123 = tpu.memref_slice %arg9[%add3A_115, %dma_wait3A_122] : memref<40x128xi32, #tpu.memory_space<vmem>> -> memref<1x128xi32, #tpu.memory_space<vmem>>
        %dma_wait3A_124 = tpu.memref_squeeze %dma_wait3A_123 : memref<1x128xi32, #tpu.memory_space<vmem>> -> memref<128xi32, #tpu.memory_space<vmem>>
        %dma_wait3A_125 = arith.constant 0 : i32
        %dma_wait3A_126 = arith.constant 0 : i32
        %dma_wait3A_127 = tpu.memref_slice %arg7[%dma_wait3A_125, %dma_wait3A_126] : memref<10112x128xf32, #tpu.memory_space<vmem_shared>> -> memref<10112x128xf32, #tpu.memory_space<vmem_shared>>
        tpu.wait_indirect_dma semaphore(%run_scoped3A : memref<!tpu.dma_semaphore, #tpu.memory_space<semaphore_mem>>) src(%arg11 : memref<128x128xf32, #tpu.memory_space<vmem>>) dst(%dma_wait3A_127 : memref<10112x128xf32, #tpu.memory_space<vmem_shared>>)
        tpu.yield
      }) : () -> ()
    }
    %scan3A_44 = arith.constant 20 : i32
    %dma_wait3A_45 = arith.constant 4992 : i32
    %dma_wait3A_46 = tpu.memref_slice %arg8[%dma_wait3A_45] : memref<5120xi32, #tpu.memory_space<vmem>> -> memref<128xi32, #tpu.memory_space<vmem>>
    %dma_wait3A_47 = arith.constant 0 : i32
    %dma_wait3A_48 = arith.constant 0 : i32
    %dma_wait3A_49 = tpu.memref_slice %arg4[%dma_wait3A_47, %dma_wait3A_48] : memref<10000x128xf32, #tpu.memory_space<hbm>> -> memref<10000x128xf32, #tpu.memory_space<hbm>>
    tpu.wait_indirect_dma semaphore(%arg12 : memref<!tpu.dma_semaphore, #tpu.memory_space<semaphore_mem>>) src(%dma_wait3A_49 : memref<10000x128xf32, #tpu.memory_space<hbm>>) dst(%arg10 : memref<128x128xf32, #tpu.memory_space<vmem>>)
    %mul3A_50 = arith.constant 80 : i32
    %mul3A_51 = arith.muli %add3A, %mul3A_50 : i32
    %add3A_52 = arith.constant 40 : i32
    %add3A_53 = arith.addi %mul3A_51, %add3A_52 : i32
    %mul3A_54 = arith.constant 128 : i32
    %mul3A_55 = arith.muli %add3A_53, %mul3A_54 : i32
    "tpu.region"() ({
      %run_scoped3A = tpu.sem_alloc : memref<!tpu.dma_semaphore, #tpu.memory_space<semaphore_mem>>
      %dma_start3A_80 = tpu.memref_slice %arg2[%mul3A_55] : memref<327680xi32, #tpu.memory_space<hbm>> -> memref<5120xi32, #tpu.memory_space<hbm>>
      %dma_start3A_81 = tpu.memref_slice %arg2[%mul3A_55] : memref<327680xi32, #tpu.memory_space<hbm>> -> memref<5120xi32, #tpu.memory_space<hbm>>
      tpu.enqueue_dma source(%dma_start3A_81 : memref<5120xi32, #tpu.memory_space<hbm>>) target(%arg8 : memref<5120xi32, #tpu.memory_space<vmem>>) target_semaphore(%run_scoped3A : memref<!tpu.dma_semaphore, #tpu.memory_space<semaphore_mem>>)
      %dma_wait3A_82 = tpu.memref_slice %arg2[%mul3A_55] : memref<327680xi32, #tpu.memory_space<hbm>> -> memref<5120xi32, #tpu.memory_space<hbm>>
      %dma_wait3A_83 = tpu.memref_slice %arg2[%mul3A_55] : memref<327680xi32, #tpu.memory_space<hbm>> -> memref<5120xi32, #tpu.memory_space<hbm>>
      tpu.wait_dma2 semaphore(%run_scoped3A : memref<!tpu.dma_semaphore, #tpu.memory_space<semaphore_mem>>) src(%dma_wait3A_83 : memref<5120xi32, #tpu.memory_space<hbm>>) dst(%arg8 : memref<5120xi32, #tpu.memory_space<vmem>>)
      tpu.yield
    }) : () -> ()
    "tpu.region"() ({
      %run_scoped3A = tpu.sem_alloc : memref<!tpu.dma_semaphore, #tpu.memory_space<semaphore_mem>>
      %dma_start3A_80 = arith.constant 0 : i32
      %dma_start3A_81 = tpu.memref_slice %arg3[%add3A_53, %dma_start3A_80] : memref<2560x128xi32, #tpu.memory_space<hbm>> -> memref<40x128xi32, #tpu.memory_space<hbm>>
      %dma_start3A_82 = arith.constant 0 : i32
      %dma_start3A_83 = tpu.memref_slice %arg3[%add3A_53, %dma_start3A_82] : memref<2560x128xi32, #tpu.memory_space<hbm>> -> memref<40x128xi32, #tpu.memory_space<hbm>>
      tpu.enqueue_dma source(%dma_start3A_83 : memref<40x128xi32, #tpu.memory_space<hbm>>) target(%arg9 : memref<40x128xi32, #tpu.memory_space<vmem>>) target_semaphore(%run_scoped3A : memref<!tpu.dma_semaphore, #tpu.memory_space<semaphore_mem>>)
      %dma_wait3A_84 = arith.constant 0 : i32
      %dma_wait3A_85 = tpu.memref_slice %arg3[%add3A_53, %dma_wait3A_84] : memref<2560x128xi32, #tpu.memory_space<hbm>> -> memref<40x128xi32, #tpu.memory_space<hbm>>
      %dma_wait3A_86 = arith.constant 0 : i32
      %dma_wait3A_87 = tpu.memref_slice %arg3[%add3A_53, %dma_wait3A_86] : memref<2560x128xi32, #tpu.memory_space<hbm>> -> memref<40x128xi32, #tpu.memory_space<hbm>>
      tpu.wait_dma2 semaphore(%run_scoped3A : memref<!tpu.dma_semaphore, #tpu.memory_space<semaphore_mem>>) src(%dma_wait3A_87 : memref<40x128xi32, #tpu.memory_space<hbm>>) dst(%arg9 : memref<40x128xi32, #tpu.memory_space<vmem>>)
      tpu.yield
    }) : () -> ()
    %dma_start3A_56 = arith.constant 0 : i32
    %dma_start3A_57 = tpu.memref_slice %arg8[%dma_start3A_56] : memref<5120xi32, #tpu.memory_space<vmem>> -> memref<128xi32, #tpu.memory_space<vmem>>
    %dma_start3A_58 = arith.constant 0 : i32
    %dma_start3A_59 = arith.constant 0 : i32
    %dma_start3A_60 = tpu.memref_slice %arg4[%dma_start3A_58, %dma_start3A_59] : memref<10000x128xf32, #tpu.memory_space<hbm>> -> memref<10000x128xf32, #tpu.memory_space<hbm>>
    tpu.enqueue_indirect_dma source(%dma_start3A_60 : memref<10000x128xf32, #tpu.memory_space<hbm>>) target(%arg10 : memref<128x128xf32, #tpu.memory_space<vmem>>) offsets(%dma_start3A_57 : memref<128xi32, #tpu.memory_space<vmem>>) semaphore(%arg12 : memref<!tpu.dma_semaphore, #tpu.memory_space<semaphore_mem>>)
    %scan3A_61 = arith.constant 0 : i32
    %scan3A_62 = arith.constant 0 : i32
    %scan3A_63 = arith.constant 20 : i32
    %scan3A_64 = arith.addi %scan3A_62, %scan3A_63 : i32
    %scan3A_65 = arith.constant 1 : i32
    scf.for %scan3A_80 = %scan3A_62 to %scan3A_64 step %scan3A_65  : i32 {
      %mul3A_81 = arith.constant 2 : i32
      %mul3A_82 = arith.muli %mul3A_81, %scan3A_80 : i32
      %add3A_83 = arith.constant 1 : i32
      %add3A_84 = arith.addi %mul3A_82, %add3A_83 : i32
      %mul3A_85 = arith.constant 128 : i32
      %mul3A_86 = arith.muli %add3A_84, %mul3A_85 : i32
      %dma_start3A_87 = tpu.memref_slice %arg8[%mul3A_86] : memref<5120xi32, #tpu.memory_space<vmem>> -> memref<128xi32, #tpu.memory_space<vmem>>
      %dma_start3A_88 = arith.constant 0 : i32
      %dma_start3A_89 = arith.constant 0 : i32
      %dma_start3A_90 = tpu.memref_slice %arg4[%dma_start3A_88, %dma_start3A_89] : memref<10000x128xf32, #tpu.memory_space<hbm>> -> memref<10000x128xf32, #tpu.memory_space<hbm>>
      tpu.enqueue_indirect_dma source(%dma_start3A_90 : memref<10000x128xf32, #tpu.memory_space<hbm>>) target(%arg11 : memref<128x128xf32, #tpu.memory_space<vmem>>) offsets(%dma_start3A_87 : memref<128xi32, #tpu.memory_space<vmem>>) semaphore(%arg13 : memref<!tpu.dma_semaphore, #tpu.memory_space<semaphore_mem>>)
      %mul3A_91 = arith.constant 128 : i32
      %mul3A_92 = arith.muli %mul3A_82, %mul3A_91 : i32
      %dma_wait3A_93 = tpu.memref_slice %arg8[%mul3A_92] : memref<5120xi32, #tpu.memory_space<vmem>> -> memref<128xi32, #tpu.memory_space<vmem>>
      %dma_wait3A_94 = arith.constant 0 : i32
      %dma_wait3A_95 = arith.constant 0 : i32
      %dma_wait3A_96 = tpu.memref_slice %arg4[%dma_wait3A_94, %dma_wait3A_95] : memref<10000x128xf32, #tpu.memory_space<hbm>> -> memref<10000x128xf32, #tpu.memory_space<hbm>>
      tpu.wait_indirect_dma semaphore(%arg12 : memref<!tpu.dma_semaphore, #tpu.memory_space<semaphore_mem>>) src(%dma_wait3A_96 : memref<10000x128xf32, #tpu.memory_space<hbm>>) dst(%arg10 : memref<128x128xf32, #tpu.memory_space<vmem>>)
      "tpu.region"() ({
        %run_scoped3A = tpu.sem_alloc : memref<!tpu.dma_semaphore, #tpu.memory_space<semaphore_mem>>
        %dma_start3A_116 = arith.constant 0 : i32
        %dma_start3A_117 = tpu.memref_slice %arg9[%mul3A_82, %dma_start3A_116] : memref<40x128xi32, #tpu.memory_space<vmem>> -> memref<1x128xi32, #tpu.memory_space<vmem>>
        %dma_start3A_118 = tpu.memref_squeeze %dma_start3A_117 : memref<1x128xi32, #tpu.memory_space<vmem>> -> memref<128xi32, #tpu.memory_space<vmem>>
        %dma_start3A_119 = arith.constant 0 : i32
        %dma_start3A_120 = arith.constant 0 : i32
        %dma_start3A_121 = tpu.memref_slice %arg7[%dma_start3A_119, %dma_start3A_120] : memref<10112x128xf32, #tpu.memory_space<vmem_shared>> -> memref<10112x128xf32, #tpu.memory_space<vmem_shared>>
        tpu.enqueue_indirect_dma source(%arg10 : memref<128x128xf32, #tpu.memory_space<vmem>>) target(%dma_start3A_121 : memref<10112x128xf32, #tpu.memory_space<vmem_shared>>) offsets(%dma_start3A_118 : memref<128xi32, #tpu.memory_space<vmem>>) semaphore(%run_scoped3A : memref<!tpu.dma_semaphore, #tpu.memory_space<semaphore_mem>>) {add = true}
        %dma_wait3A_122 = arith.constant 0 : i32
        %dma_wait3A_123 = tpu.memref_slice %arg9[%mul3A_82, %dma_wait3A_122] : memref<40x128xi32, #tpu.memory_space<vmem>> -> memref<1x128xi32, #tpu.memory_space<vmem>>
        %dma_wait3A_124 = tpu.memref_squeeze %dma_wait3A_123 : memref<1x128xi32, #tpu.memory_space<vmem>> -> memref<128xi32, #tpu.memory_space<vmem>>
        %dma_wait3A_125 = arith.constant 0 : i32
        %dma_wait3A_126 = arith.constant 0 : i32
        %dma_wait3A_127 = tpu.memref_slice %arg7[%dma_wait3A_125, %dma_wait3A_126] : memref<10112x128xf32, #tpu.memory_space<vmem_shared>> -> memref<10112x128xf32, #tpu.memory_space<vmem_shared>>
        tpu.wait_indirect_dma semaphore(%run_scoped3A : memref<!tpu.dma_semaphore, #tpu.memory_space<semaphore_mem>>) src(%arg10 : memref<128x128xf32, #tpu.memory_space<vmem>>) dst(%dma_wait3A_127 : memref<10112x128xf32, #tpu.memory_space<vmem_shared>>)
        tpu.yield
      }) : () -> ()
      %add3A_97 = arith.constant 2 : i32
      %add3A_98 = arith.addi %mul3A_82, %add3A_97 : i32
      %min3A = arith.constant 39 : i32
      %min3A_99 = arith.minsi %add3A_98, %min3A : i32
      %mul3A_100 = arith.constant 128 : i32
      %mul3A_101 = arith.muli %min3A_99, %mul3A_100 : i32
      %dma_start3A_102 = tpu.memref_slice %arg8[%mul3A_101] : memref<5120xi32, #tpu.memory_space<vmem>> -> memref<128xi32, #tpu.memory_space<vmem>>
      %dma_start3A_103 = arith.constant 0 : i32
      %dma_start3A_104 = arith.constant 0 : i32
      %dma_start3A_105 = tpu.memref_slice %arg4[%dma_start3A_103, %dma_start3A_104] : memref<10000x128xf32, #tpu.memory_space<hbm>> -> memref<10000x128xf32, #tpu.memory_space<hbm>>
      tpu.enqueue_indirect_dma source(%dma_start3A_105 : memref<10000x128xf32, #tpu.memory_space<hbm>>) target(%arg10 : memref<128x128xf32, #tpu.memory_space<vmem>>) offsets(%dma_start3A_102 : memref<128xi32, #tpu.memory_space<vmem>>) semaphore(%arg12 : memref<!tpu.dma_semaphore, #tpu.memory_space<semaphore_mem>>)
      %add3A_106 = arith.constant 1 : i32
      %add3A_107 = arith.addi %mul3A_82, %add3A_106 : i32
      %mul3A_108 = arith.constant 128 : i32
      %mul3A_109 = arith.muli %add3A_107, %mul3A_108 : i32
      %dma_wait3A_110 = tpu.memref_slice %arg8[%mul3A_109] : memref<5120xi32, #tpu.memory_space<vmem>> -> memref<128xi32, #tpu.memory_space<vmem>>
      %dma_wait3A_111 = arith.constant 0 : i32
      %dma_wait3A_112 = arith.constant 0 : i32
      %dma_wait3A_113 = tpu.memref_slice %arg4[%dma_wait3A_111, %dma_wait3A_112] : memref<10000x128xf32, #tpu.memory_space<hbm>> -> memref<10000x128xf32, #tpu.memory_space<hbm>>
      tpu.wait_indirect_dma semaphore(%arg13 : memref<!tpu.dma_semaphore, #tpu.memory_space<semaphore_mem>>) src(%dma_wait3A_113 : memref<10000x128xf32, #tpu.memory_space<hbm>>) dst(%arg11 : memref<128x128xf32, #tpu.memory_space<vmem>>)
      %add3A_114 = arith.constant 1 : i32
      %add3A_115 = arith.addi %mul3A_82, %add3A_114 : i32
      "tpu.region"() ({
        %run_scoped3A = tpu.sem_alloc : memref<!tpu.dma_semaphore, #tpu.memory_space<semaphore_mem>>
        %dma_start3A_116 = arith.constant 0 : i32
        %dma_start3A_117 = tpu.memref_slice %arg9[%add3A_115, %dma_start3A_116] : memref<40x128xi32, #tpu.memory_space<vmem>> -> memref<1x128xi32, #tpu.memory_space<vmem>>
        %dma_start3A_118 = tpu.memref_squeeze %dma_start3A_117 : memref<1x128xi32, #tpu.memory_space<vmem>> -> memref<128xi32, #tpu.memory_space<vmem>>
        %dma_start3A_119 = arith.constant 0 : i32
        %dma_start3A_120 = arith.constant 0 : i32
        %dma_start3A_121 = tpu.memref_slice %arg7[%dma_start3A_119, %dma_start3A_120] : memref<10112x128xf32, #tpu.memory_space<vmem_shared>> -> memref<10112x128xf32, #tpu.memory_space<vmem_shared>>
        tpu.enqueue_indirect_dma source(%arg11 : memref<128x128xf32, #tpu.memory_space<vmem>>) target(%dma_start3A_121 : memref<10112x128xf32, #tpu.memory_space<vmem_shared>>) offsets(%dma_start3A_118 : memref<128xi32, #tpu.memory_space<vmem>>) semaphore(%run_scoped3A : memref<!tpu.dma_semaphore, #tpu.memory_space<semaphore_mem>>) {add = true}
        %dma_wait3A_122 = arith.constant 0 : i32
        %dma_wait3A_123 = tpu.memref_slice %arg9[%add3A_115, %dma_wait3A_122] : memref<40x128xi32, #tpu.memory_space<vmem>> -> memref<1x128xi32, #tpu.memory_space<vmem>>
        %dma_wait3A_124 = tpu.memref_squeeze %dma_wait3A_123 : memref<1x128xi32, #tpu.memory_space<vmem>> -> memref<128xi32, #tpu.memory_space<vmem>>
        %dma_wait3A_125 = arith.constant 0 : i32
        %dma_wait3A_126 = arith.constant 0 : i32
        %dma_wait3A_127 = tpu.memref_slice %arg7[%dma_wait3A_125, %dma_wait3A_126] : memref<10112x128xf32, #tpu.memory_space<vmem_shared>> -> memref<10112x128xf32, #tpu.memory_space<vmem_shared>>
        tpu.wait_indirect_dma semaphore(%run_scoped3A : memref<!tpu.dma_semaphore, #tpu.memory_space<semaphore_mem>>) src(%arg11 : memref<128x128xf32, #tpu.memory_space<vmem>>) dst(%dma_wait3A_127 : memref<10112x128xf32, #tpu.memory_space<vmem_shared>>)
        tpu.yield
      }) : () -> ()
    }
    %scan3A_66 = arith.constant 20 : i32
    %dma_wait3A_67 = arith.constant 4992 : i32
    %dma_wait3A_68 = tpu.memref_slice %arg8[%dma_wait3A_67] : memref<5120xi32, #tpu.memory_space<vmem>> -> memref<128xi32, #tpu.memory_space<vmem>>
    %dma_wait3A_69 = arith.constant 0 : i32
    %dma_wait3A_70 = arith.constant 0 : i32
    %dma_wait3A_71 = tpu.memref_slice %arg4[%dma_wait3A_69, %dma_wait3A_70] : memref<10000x128xf32, #tpu.memory_space<hbm>> -> memref<10000x128xf32, #tpu.memory_space<hbm>>
    tpu.wait_indirect_dma semaphore(%arg12 : memref<!tpu.dma_semaphore, #tpu.memory_space<semaphore_mem>>) src(%dma_wait3A_71 : memref<10000x128xf32, #tpu.memory_space<hbm>>) dst(%arg10 : memref<128x128xf32, #tpu.memory_space<vmem>>)
    %barrier3A_72 = arith.constant 0 : index
    tpu.barrier barrier_id(%barrier3A_72)
    %mul3A_73 = arith.constant 632 : i32
    %mul3A_74 = arith.muli %arg1, %mul3A_73 : i32
    %mul3A_75 = arith.constant 10112 : i32
    %mul3A_76 = arith.muli %arg0, %mul3A_75 : i32
    %mul3A_77 = arith.constant 632 : i32
    %mul3A_78 = arith.muli %arg1, %mul3A_77 : i32
    %add3A_79 = arith.addi %mul3A_76, %mul3A_78 : i32
    "tpu.region"() ({
      %run_scoped3A = tpu.sem_alloc : memref<!tpu.dma_semaphore, #tpu.memory_space<semaphore_mem>>
      %dma_start3A_80 = arith.constant 0 : i32
      %dma_start3A_81 = tpu.memref_slice %arg6[%add3A_79, %dma_start3A_80] : memref<20224x128xf32, #tpu.memory_space<hbm>> -> memref<632x128xf32, #tpu.memory_space<hbm>>
      %dma_start3A_82 = arith.constant 0 : i32
      %dma_start3A_83 = tpu.memref_slice %arg7[%mul3A_74, %dma_start3A_82] : memref<10112x128xf32, #tpu.memory_space<vmem_shared>> -> memref<632x128xf32, #tpu.memory_space<vmem_shared>>
      tpu.enqueue_dma source(%dma_start3A_83 : memref<632x128xf32, #tpu.memory_space<vmem_shared>>) target(%dma_start3A_81 : memref<632x128xf32, #tpu.memory_space<hbm>>) target_semaphore(%run_scoped3A : memref<!tpu.dma_semaphore, #tpu.memory_space<semaphore_mem>>)
      %dma_wait3A_84 = arith.constant 0 : i32
      %dma_wait3A_85 = tpu.memref_slice %arg6[%add3A_79, %dma_wait3A_84] : memref<20224x128xf32, #tpu.memory_space<hbm>> -> memref<632x128xf32, #tpu.memory_space<hbm>>
      %dma_wait3A_86 = arith.constant 0 : i32
      %dma_wait3A_87 = tpu.memref_slice %arg7[%mul3A_74, %dma_wait3A_86] : memref<10112x128xf32, #tpu.memory_space<vmem_shared>> -> memref<632x128xf32, #tpu.memory_space<vmem_shared>>
      tpu.wait_dma2 semaphore(%run_scoped3A : memref<!tpu.dma_semaphore, #tpu.memory_space<semaphore_mem>>) src(%dma_wait3A_87 : memref<632x128xf32, #tpu.memory_space<vmem_shared>>) dst(%dma_wait3A_85 : memref<632x128xf32, #tpu.memory_space<hbm>>)
      tpu.yield
    }) : () -> ()
    return
  }
}

module attributes {stable_mosaic.version = 14 : i64} {
  func.func @_tc_pre(%arg0: memref<10000x128xf32, #tpu.memory_space<vmem>>, %arg1: memref<128x128xf32, #tpu.memory_space<vmem>>, %arg2: memref<10000x128xf32, #tpu.memory_space<vmem>>) attributes {dimension_semantics = [], scalar_prefetch = 0 : i64, scratch_operands = 0 : i64, tpu.core_type = #tpu.core_type<tc>} {
    %get3A = arith.constant 0 : index
    %get3A_0 = arith.constant 0 : index
    %get3A_1 = vector.load %arg0[%get3A, %get3A_0] : memref<10000x128xf32, #tpu.memory_space<vmem>>, vector<10000x128xf32>
    %get3A_2 = arith.constant 0 : index
    %get3A_3 = arith.constant 0 : index
    %get3A_4 = vector.load %arg1[%get3A_2, %get3A_3] : memref<128x128xf32, #tpu.memory_space<vmem>>, vector<128x128xf32>
    %dot_general3A = arith.constant dense<0.000000e+00> : vector<10000x128xf32>
    %dot_general3A_5 = tpu.matmul %get3A_1, %get3A_4, %dot_general3A {dimension_numbers = #tpu.dot_dimension_numbers<[1], [1], [0], [0], [0, 0, 1, 0], [], []>, transpose_lhs_hint = false} : vector<10000x128xf32>, vector<128x128xf32>, vector<10000x128xf32> -> vector<10000x128xf32>
    %swap3A = arith.constant 0 : index
    %swap3A_6 = arith.constant 0 : index
    %swap3A_7 = vector.load %arg2[%swap3A, %swap3A_6] : memref<10000x128xf32, #tpu.memory_space<vmem>>, vector<10000x128xf32>
    tpu.vector_store %arg2[%swap3A, %swap3A_6], %dot_general3A_5 {strides = array<i32>} : memref<10000x128xf32, #tpu.memory_space<vmem>>, vector<10000x128xf32>,
    return
  }
}

module attributes {stable_mosaic.version = 14 : i64} {
  func.func @_tc_mid(%arg0: memref<20224x128xf32, #tpu.memory_space<vmem>>, %arg1: memref<10000x128xf32, #tpu.memory_space<vmem>>, %arg2: memref<128x128xf32, #tpu.memory_space<vmem>>, %arg3: memref<128x128xf32, #tpu.memory_space<vmem>>, %arg4: memref<1x128xf32, #tpu.memory_space<vmem>>, %arg5: memref<10000x128xf32, #tpu.memory_space<vmem>>, %arg6: memref<10000x128xf32, #tpu.memory_space<vmem>>) attributes {dimension_semantics = [], scalar_prefetch = 0 : i64, scratch_operands = 0 : i64, tpu.core_type = #tpu.core_type<tc>} {
    %get3A = arith.constant 0 : index
    %get3A_0 = arith.constant 0 : index
    %get3A_1 = vector.load %arg0[%get3A, %get3A_0] : memref<20224x128xf32, #tpu.memory_space<vmem>>, vector<10000x128xf32>
    %get3A_2 = arith.constant 10112 : index
    %get3A_3 = arith.constant 0 : index
    %get3A_4 = vector.load %arg0[%get3A_2, %get3A_3] : memref<20224x128xf32, #tpu.memory_space<vmem>>, vector<10000x128xf32>
    %add3A = arith.addf %get3A_1, %get3A_4 : vector<10000x128xf32>
    %get3A_5 = arith.constant 0 : index
    %get3A_6 = arith.constant 0 : index
    %get3A_7 = vector.load %arg4[%get3A_5, %get3A_6] : memref<1x128xf32, #tpu.memory_space<vmem>>, vector<1x128xf32>
    %add3A_8 = vector.broadcast %get3A_7 : vector<1x128xf32> to vector<10000x128xf32>
    %add3A_9 = arith.addf %add3A, %add3A_8 : vector<10000x128xf32>
    %get3A_10 = arith.constant 0 : index
    %get3A_11 = arith.constant 0 : index
    %get3A_12 = vector.load %arg1[%get3A_10, %get3A_11] : memref<10000x128xf32, #tpu.memory_space<vmem>>, vector<10000x128xf32>
    %get3A_13 = arith.constant 0 : index
    %get3A_14 = arith.constant 0 : index
    %get3A_15 = vector.load %arg2[%get3A_13, %get3A_14] : memref<128x128xf32, #tpu.memory_space<vmem>>, vector<128x128xf32>
    %dot_general3A = arith.constant dense<0.000000e+00> : vector<10000x128xf32>
    %dot_general3A_16 = tpu.matmul %get3A_12, %get3A_15, %dot_general3A {dimension_numbers = #tpu.dot_dimension_numbers<[1], [1], [0], [0], [0, 0, 1, 0], [], []>, transpose_lhs_hint = false} : vector<10000x128xf32>, vector<128x128xf32>, vector<10000x128xf32> -> vector<10000x128xf32>
    %add3A_17 = arith.addf %add3A_9, %dot_general3A_16 : vector<10000x128xf32>
    %tanh3A = math.tanh %add3A_17 : vector<10000x128xf32>
    %swap3A = arith.constant 0 : index
    %swap3A_18 = arith.constant 0 : index
    %swap3A_19 = vector.load %arg5[%swap3A, %swap3A_18] : memref<10000x128xf32, #tpu.memory_space<vmem>>, vector<10000x128xf32>
    tpu.vector_store %arg5[%swap3A, %swap3A_18], %tanh3A {strides = array<i32>} : memref<10000x128xf32, #tpu.memory_space<vmem>>, vector<10000x128xf32>,
    %get3A_20 = arith.constant 0 : index
    %get3A_21 = arith.constant 0 : index
    %get3A_22 = vector.load %arg3[%get3A_20, %get3A_21] : memref<128x128xf32, #tpu.memory_space<vmem>>, vector<128x128xf32>
    %dot_general3A_23 = arith.constant dense<0.000000e+00> : vector<10000x128xf32>
    %dot_general3A_24 = tpu.matmul %tanh3A, %get3A_22, %dot_general3A_23 {dimension_numbers = #tpu.dot_dimension_numbers<[1], [1], [0], [0], [0, 0, 1, 0], [], []>, transpose_lhs_hint = false} : vector<10000x128xf32>, vector<128x128xf32>, vector<10000x128xf32> -> vector<10000x128xf32>
    %swap3A_25 = arith.constant 0 : index
    %swap3A_26 = arith.constant 0 : index
    %swap3A_27 = vector.load %arg6[%swap3A_25, %swap3A_26] : memref<10000x128xf32, #tpu.memory_space<vmem>>, vector<10000x128xf32>
    tpu.vector_store %arg6[%swap3A_25, %swap3A_26], %dot_general3A_24 {strides = array<i32>} : memref<10000x128xf32, #tpu.memory_space<vmem>>, vector<10000x128xf32>,
    return
  }
}

module attributes {stable_mosaic.version = 14 : i64} {
  func.func @_tc_post(%arg0: memref<20224x128xf32, #tpu.memory_space<vmem>>, %arg1: memref<10000x128xf32, #tpu.memory_space<vmem>>, %arg2: memref<128x128xf32, #tpu.memory_space<vmem>>, %arg3: memref<1x128xf32, #tpu.memory_space<vmem>>, %arg4: memref<10000x1xi32, #tpu.memory_space<vmem>>, %arg5: memref<64x128xf32, #tpu.memory_space<vmem>>) attributes {dimension_semantics = [], scalar_prefetch = 0 : i64, scratch_operands = 0 : i64, tpu.core_type = #tpu.core_type<tc>} {
    %get3A = arith.constant 0 : index
    %get3A_0 = arith.constant 0 : index
    %get3A_1 = vector.load %arg0[%get3A, %get3A_0] : memref<20224x128xf32, #tpu.memory_space<vmem>>, vector<10000x128xf32>
    %get3A_2 = arith.constant 10112 : index
    %get3A_3 = arith.constant 0 : index
    %get3A_4 = vector.load %arg0[%get3A_2, %get3A_3] : memref<20224x128xf32, #tpu.memory_space<vmem>>, vector<10000x128xf32>
    %add3A = arith.addf %get3A_1, %get3A_4 : vector<10000x128xf32>
    %get3A_5 = arith.constant 0 : index
    %get3A_6 = arith.constant 0 : index
    %get3A_7 = vector.load %arg3[%get3A_5, %get3A_6] : memref<1x128xf32, #tpu.memory_space<vmem>>, vector<1x128xf32>
    %add3A_8 = vector.broadcast %get3A_7 : vector<1x128xf32> to vector<10000x128xf32>
    %add3A_9 = arith.addf %add3A, %add3A_8 : vector<10000x128xf32>
    %get3A_10 = arith.constant 0 : index
    %get3A_11 = arith.constant 0 : index
    %get3A_12 = vector.load %arg1[%get3A_10, %get3A_11] : memref<10000x128xf32, #tpu.memory_space<vmem>>, vector<10000x128xf32>
    %get3A_13 = arith.constant 0 : index
    %get3A_14 = arith.constant 0 : index
    %get3A_15 = vector.load %arg2[%get3A_13, %get3A_14] : memref<128x128xf32, #tpu.memory_space<vmem>>, vector<128x128xf32>
    %dot_general3A = arith.constant dense<0.000000e+00> : vector<10000x128xf32>
    %dot_general3A_16 = tpu.matmul %get3A_12, %get3A_15, %dot_general3A {dimension_numbers = #tpu.dot_dimension_numbers<[1], [1], [0], [0], [0, 0, 1, 0], [], []>, transpose_lhs_hint = false} : vector<10000x128xf32>, vector<128x128xf32>, vector<10000x128xf32> -> vector<10000x128xf32>
    %add3A_17 = arith.addf %add3A_9, %dot_general3A_16 : vector<10000x128xf32>
    %tanh3A = math.tanh %add3A_17 : vector<10000x128xf32>
    %get3A_18 = arith.constant 0 : index
    %get3A_19 = arith.constant 0 : index
    %get3A_20 = vector.load %arg4[%get3A_18, %get3A_19] : memref<10000x1xi32, #tpu.memory_space<vmem>>, vector<10000x1xi32>
    %iota3A = tpu.iota {dimensions = array<i32: 1>} : vector<10000x64xi32>
    %eq3A = vector.broadcast %get3A_20 : vector<10000x1xi32> to vector<10000x64xi32>
    %eq3A_21 = arith.cmpi eq, %eq3A, %iota3A : vector<10000x64xi32>
    %convert_element_type3A = arith.extui %eq3A_21 : vector<10000x64xi1> to vector<10000x64xi32>
    %convert_element_type3A_22 = arith.sitofp %convert_element_type3A : vector<10000x64xi32> to vector<10000x64xf32>
    %dot_general3A_23 = arith.constant dense<0.000000e+00> : vector<64x128xf32>
    %dot_general3A_24 = tpu.matmul %convert_element_type3A_22, %tanh3A, %dot_general3A_23 {dimension_numbers = #tpu.dot_dimension_numbers<[0], [0], [1], [1], [0, 1, 1, 1], [], []>, transpose_lhs_hint = false} : vector<10000x64xf32>, vector<10000x128xf32>, vector<64x128xf32> -> vector<64x128xf32>
    %reduce_sum3A = arith.constant dense<0.000000e+00> : vector<64xf32>
    %reduce_sum3A_25 = vector.multi_reduction <add>, %convert_element_type3A_22, %reduce_sum3A [0] : vector<10000x64xf32> to vector<64xf32>
    %max3A = arith.constant 1.000000e+00 : f32
    %max3A_26 = vector.broadcast %max3A : f32 to vector<64xf32>
    %max3A_27 = arith.maximumf %reduce_sum3A_25, %max3A_26 : vector<64xf32>
    %broadcast_in_dim3A = vector.shape_cast %max3A_27 : vector<64xf32> to vector<64x1xf32>
    %div3A = vector.broadcast %broadcast_in_dim3A : vector<64x1xf32> to vector<64x128xf32>
    %div3A_28 = arith.divf %dot_general3A_24, %div3A : vector<64x128xf32>
    %swap3A = arith.constant 0 : index
    %swap3A_29 = arith.constant 0 : index
    %swap3A_30 = vector.load %arg5[%swap3A, %swap3A_29] : memref<64x128xf32, #tpu.memory_space<vmem>>, vector<64x128xf32>
    tpu.vector_store %arg5[%swap3A, %swap3A_29], %div3A_28 {strides = array<i32>} : memref<64x128xf32, #tpu.memory_space<vmem>>, vector<64x128xf32>,
    return
  }
}

</mosaic_0001>

<sc_bundles>
// kernel: kernel.10.cloned.1.call-start
scs
__scs_entry_jumppad:
0x0: {  	(pc) =	sbr.rel $0x88, $3  }
0x1: {  	(tag) =	ssettag $0x0;
	lr =	simm.s32 $0x1  }
0x2: {  	[smem:$0x3F98] =	sst lr;
	_ =	strace $0xD0000000  }
0x3: {  	_ = 	snop  }
0x4: {  	_ = 	snop  }
0x5: {  	_ = 	snop  }
0x6: {  	_ = 	snop  }
0x7: {  	_ = 	snop  }
__scs_overlays_trampoline_lowered:
0x8: {  	[smem:$0x3FA7] =	sst s0  }
0x9: {  	[smem:$0x3FA8] =	sst s1  }
0xa: {  	[smem:$0x3FA9] =	sst s2  }
0xb: {  	[smem:$0x3FAA] =	sst s3  }
0xc: {  	[smem:$0x3FAB] =	sst s4  }
0xd: {  	[smem:$0x3FAC] =	sst s5  }
0xe: {  	[smem:$0x3FAD] =	sst s6  }
0xf: {  	[smem:$0x3FAE] =	sst s7  }
0x10: {  	[smem:$0x3FAF] =	sst s8  }
0x11: {  	[smem:$0x3FB0] =	sst s9;
	s0 =	simm.s32 @!p0 $0x0  }
0x12: {  	s1 =	sld [smem:$0x3F96];
	s0 =	simm.s32 @p0 $0x1  }
0x13: {  	[smem:$0x3FB1] =	sst s0;
	s0 =	simm.s32 @!p1 $0x0  }
0x14: {  	s2 =	sld [smem:$0x3F95];
	s0 =	simm.s32 @p1 $0x1  }
0x15: {  	[smem:$0x3FB2] =	sst s0;
	s0 =	simm.s32 @!p2 $0x0  }
0x16: {  	s3 =	sld [smem:$0x3FDB];
	s0 =	simm.s32 @p2 $0x1  }
0x17: {  	s4 =	simm.s32 $0x1BF5;
	[smem:$0x3FB4] =	sst s0  }
0x18: {  	s0 =	sld [smem:$0x3F97];
	_ =	swait.ge [sflag:s4], $0x0  }
0x19: {  	s7 =	sld [smem:$0x3F98]  }
0x1a: {  	s8 =	sadd.s32 $0xFFFFE003, lr  }
0x1b: {  	s9 =	sadd.s32 $0xFFFFFEF7, lr;
	s5 =	simm.s32 $0xFFFFFFFF;
	p2 =	slt.u32 s8, $0xFFFFF086  }
0x1c: {  	p1 =	slt.u32 s9, $0xF7A;
	s5 =	simm.s32 @!p2 $0x0  }
0x1d: {  	s5 =	simm.s32 @p1 $0x1;
	p0 =	seq.s32 s7, s2  }
0x1e: {  	s7 =	smul.u32 @!p0 $0xF7A, s2;
	p2 =	seq.s32 @!p0 s5, $0x0  }
0x1f: {  	s9 =	smul.u32 $0xF7A, s1;
	s8 =	simm.s32 @!p0 $0x1BF5;
	p2 =	por !p2, p0  }
0x20: {  	[sflag:s8] =	ssyncset.s32 @!p0 $0xFFFFF086;
	s6 =	sadd.s32 @!p0 s3, s7;
	s7 =	simm.s32 @!p0 $0x108  }
0x21: {  	s3 =	sadd.s32 s3, s9;
	s6 =	sadd.s32 @!p0 $0x88, s6;
	s7 =	simm.s32 @p2 $0x1082  }
0x22: {  	[simem:s7], [sflag:s8] =	dma.local @!p0 [hbm:s6], $0xF7A  }
0x23: {  	s9 =	sor.u32 $0xD0000000, s2;
	s6 =	simm.s32 $0x108;
	_ =	swait.ge @!p0 [sflag:s8], $0x0  }
0x24: {  	s3 =	sadd.s32 $0x88, s3;
	s6 =	simm.s32 @!p1 $0x1082;
	[sflag:s4] =	ssyncset.s32 $0xFFFFF086  }
0x25: {  	[simem:s6], [sflag:s4] =	dma.local [hbm:s3], $0xF7A  }
0x26: {  	[smem:$0x3F98] =	sst s1;
	(tag) =	ssettag s2;
	_ =	strace s9  }
0x27: {  	s1 =	sld [smem:$0x3FA8]  }
0x28: {  	s2 =	sld [smem:$0x3FA9]  }
0x29: {  	s4 =	sld [smem:$0x3FAB]  }
0x2a: {  	p0 =	seq.s32 s5, $0x0;
	s5 =	sld [smem:$0x3FAC]  }
0x2b: {  	s6 =	sld [smem:$0x3FAD]  }
0x2c: {  	s7 =	sld [smem:$0x3FAE]  }
0x2d: {  	s3 =	simm.s32 $0x108;
	s8 =	sld [smem:$0x3FAF]  }
0x2e: {  	s3 =	simm.s32 @!p0 $0x1082;
	s9 =	sld [smem:$0x3FB0]  }
0x2f: {  	lr =	sadd.s32 s0, s3;
	s0 =	sld [smem:$0x3FA7]  }
0x30: {  	s3 =	sld [smem:$0x3FAA]  }
0x31: {  	[smem:$0x3FB3] =	sst s10  }
0x32: {  	s10 =	sld [smem:$0x3FB1];
	_ =	sdelay $0x3  }
0x33: {  	p0 =	seq.s32 s10, $0x1;
	s10 =	sld [smem:$0x3FB3];
	_ =	sdelay $0x3  }
0x34: {  	[smem:$0x3FB3] =	sst s10  }
0x35: {  	s10 =	sld [smem:$0x3FB2];
	_ =	sdelay $0x3  }
0x36: {  	p1 =	seq.s32 s10, $0x1;
	s10 =	sld [smem:$0x3FB3];
	_ =	sdelay $0x3  }
0x37: {  	[smem:$0x3FB3] =	sst s10  }
0x38: {  	s10 =	sld [smem:$0x3FB4]  }
0x39: {  	_ = 	snop;
	(pc) =	sbr.ind lr, $3  }
0x3a: {  	_ = 	snop  }
0x3b: {  	_ = 	snop  }
0x3c: {  	p2 =	seq.s32 s10, $0x1;
	s10 =	sld [smem:$0x3FB3]  }
0x3d: {  	_ =	shalt  }
0x3e: {  	_ =	shalt  }
0x3f: {  	_ =	shalt  }
0x40: {  	_ =	shalt  }
0x41: {  	_ =	shalt  }
0x42: {  	_ =	shalt  }
0x43: {  	_ =	shalt  }
0x44: {  	_ =	shalt  }
0x45: {  	_ =	shalt  }
0x46: {  	_ =	shalt  }
0x47: {  	_ =	shalt  }
0x48: {  	_ =	shalt  }
0x49: {  	_ =	shalt  }
0x4a: {  	_ =	shalt  }
0x4b: {  	_ =	shalt  }
0x4c: {  	_ =	shalt  }
0x4d: {  	_ =	shalt  }
0x4e: {  	_ =	shalt  }
0x4f: {  	_ =	shalt  }
0x50: {  	_ =	shalt  }
0x51: {  	_ =	shalt  }
0x52: {  	_ =	shalt  }
0x53: {  	_ =	shalt  }
0x54: {  	_ =	shalt  }
0x55: {  	_ =	shalt  }
0x56: {  	_ =	shalt  }
0x57: {  	_ =	shalt  }
0x58: {  	_ =	shalt  }
0x59: {  	_ =	shalt  }
0x5a: {  	_ =	shalt  }
0x5b: {  	_ =	shalt  }
0x5c: {  	_ =	shalt  }
0x5d: {  	_ =	shalt  }
0x5e: {  	_ =	shalt  }
0x5f: {  	_ =	shalt  }
0x60: {  	_ =	shalt  }
0x61: {  	_ =	shalt  }
0x62: {  	_ =	shalt  }
0x63: {  	_ =	shalt  }
0x64: {  	_ =	shalt  }
0x65: {  	_ =	shalt  }
0x66: {  	_ =	shalt  }
0x67: {  	_ =	shalt  }
0x68: {  	_ =	shalt  }
0x69: {  	_ =	shalt  }
0x6a: {  	_ =	shalt  }
0x6b: {  	_ =	shalt  }
0x6c: {  	_ =	shalt  }
0x6d: {  	_ =	shalt  }
0x6e: {  	_ =	shalt  }
0x6f: {  	_ =	shalt  }
0x70: {  	_ =	shalt  }
0x71: {  	_ =	shalt  }
0x72: {  	_ =	shalt  }
0x73: {  	_ =	shalt  }
0x74: {  	_ =	shalt  }
0x75: {  	_ =	shalt  }
0x76: {  	_ =	shalt  }
0x77: {  	_ =	shalt  }
0x78: {  	_ =	shalt  }
0x79: {  	_ =	shalt  }
0x7a: {  	_ =	shalt  }
0x7b: {  	_ =	shalt  }
0x7c: {  	_ =	shalt  }
0x7d: {  	_ =	shalt  }
0x7e: {  	_ =	shalt  }
0x7f: {  	_ =	shalt  }
0x80: {  	_ =	shalt  }
0x81: {  	_ =	shalt  }
0x82: {  	_ =	shalt  }
0x83: {  	_ =	shalt  }
0x84: {  	_ =	shalt  }
0x85: {  	_ =	shalt  }
0x86: {  	_ =	shalt  }
0x87: {  	_ =	shalt  }
.Lfunc_end0:
.L_simem_size_0:
called_computation.1_lowered:
.L_overlay_start_0:
0x88: {  	s2 =	sld [smem:$0x3FD9]  }
0x89: {  	s3 =	sld [smem:$0x3FFE];
	_ =	sdelay $0x1  }
0x8a: {  	s1 =	srdreg.scid  }
0x8b: {  	s0 =	sand.u32 $0x1, s1  }
0x8c: {  	s16 =	sshll.u32 s0, $0xA;
	s2 =	sadd.s32 s3, s2  }
0x8d: {  	s2 =	sadd.s32 s2, s16  }
0x8e: {  	[smem:$0x3FBF] =	sst s2  }
0x8f: {  	_ = 	snop  }
0x90: {  	(tm) =	ssettm $0x1  }
0x91: {  	s17 =	sld [smem:$0x3FFB];
	_ =	sdelay $0x3  }
0x92: {  	_ =	strace s17  }
0x93: {  	s2 =	sld [smem:$0x3FFC];
	_ =	sdelay $0x3  }
0x94: {  	_ =	strace s2  }
0x95: {  	s2 =	sld [smem:$0x3FFD];
	_ =	sdelay $0x3  }
0x96: {  	_ =	strace s2  }
0x97: {  	_ =	strace $0x8FFFFFFF  }
0x98: {  	s18 =	sld [smem:$0x3FDB];
	_ =	sdelay $0x1  }
0x99: {  	s19 =	simm.s32 $_scs_section_size  }
0x9a: {  	s4 =	simm.s32 $_size__tile_overlayer_lowered;
	s5 =	simm.s32 $_tile_overlayer_lowered  }
0x9b: {  	s22 =	simm.s32 $0x1BFF;
	s21 =	sshll.u32 s5, $0x1;
	s2 =	sadd.s32 s19, s18  }
0x9c: {  	s6 =	simm.s32 $0x0;
	s20 =	sshll.u32 s4, $0x1;
	s4 =	sadd.s32 s21, s2  }
0x9d: {  	[timem:s6], [sflag:s22] =	dma.local [hbm:s4], s20  }
0x9e: {  	_ =	swait.ge [sflag:s22], s20  }
0x9f: {  	s3 =	ssub.s32 $0x0, s20;
	[sflag:s22] =	ssyncset.done $0x0  }
0xa0: {  	[sflag:s22] =	ssyncadd.s32 s3;
	_ =	sdelay $0x1  }
0xa1: {  	s23 =	simm.s32 $0x1B8B  }
0xa2: {  	_ =	swait.ge [sflag:s23], $0x1  }
0xa3: {  	[sflag:s23] =	ssyncset.done $0x0  }
0xa4: {  	s25 =	simm.s32 $0x1B8E;
	s24 =	sld [smem:$0x3FFE];
	[sflag:s23] =	ssyncadd.s32 $0xFFFFFFFF  }
0xa5: {  	s26 =	simm.s32 $execute0_lowered;
	[smem:$0x3FD2] =	sst s25  }
0xa6: {  	s4 =	sshll.u32 s26, $0x1;
	_ =	strace $0x80000049;
	[dreg:$0x1] =	wrdreg $0xFFFFFFFF  }
0xa7: {  	s28 =	simm.s32 $_size_execute0_lowered;
	s2 =	sadd.s32 s2, s4;
	[dreg:$0x0] =	wrdreg $0x0  }
0xa8: {  	s4 =	sshll.u32 s28, $0x1;
	[dreg:$0x2] =	wrdreg s2  }
0xa9: {  	[dreg:$0x3] =	wrdreg s4  }
0xaa: {  	[dreg:$0x4] =	wrdreg $0xC0  }
0xab: {  	_ =	task [dreg:s6], $0x5FFFF  }
0xac: {  	[dreg:$0x1] =	wrdreg $0xFFFFFFFF  }
0xad: {  	[dreg:$0x0] =	wrdreg $0x60  }
0xae: {  	[dreg:$0x2] =	wrdreg s24  }
0xaf: {  	[dreg:$0x3] =	wrdreg $0x0  }
0xb0: {  	[dreg:$0x4] =	wrdreg $0x9  }
0xb1: {  	_ =	task.clear_ibuf [dreg:s6], $0x5FFFF;
	_ =	strace $0x90000049  }
0xb2: {  	s29 =	simm.s32 $0x9;
	_ =	strace $0x8000004B  }
0xb3: {  	_ =	swait.ge [sflag:s29], $0x1  }
0xb4: {  	[sflag:s29] =	ssyncadd.s32 $0xFFFFFFFF  }
0xb5: {  	_ =	strace $0x9000004B  }
0xb6: {  	_ =	sfence  }
0xb7: {  	s30 =	sld [smem:$0x0];
	_ =	sdelay $0x2  }
0xb8: {  	s31 =	sshll.u32 s1, $0xD;
	s1 =	sshrl.u32 s1, $0x2  }
0xb9: {  	s3 =	sand.u32 $0x4000, s31;
	s1 =	sadd.s32 s1, s30  }
0xba: {  	s0 =	sor.u32 s3, s0;
	s1 =	sshll.u32 s1, $0x11  }
0xbb: {  	s0 =	sor.u32 s1, s0  }
0xbc: {  	s0 =	sadd.s32 $0x8F2B, s0  }
0xbd: {  	[sflag:s0] =	ssyncadd.remote.s32 $0x1  }
0xbe: {  	_ =	sfence.sel $0xFFFF  }
0xbf: {  	[dreg:$0x0] =	wrdreg $0xFFFFFFFF;
	(pc) =	sbr.abs _section_cstart, $3  }
0xc0: {  	[dreg:$0x1] =	wrdreg $0xFFFFFFFF  }
0xc1: {  	_ =	task.clear_ibuf [dreg:s6], $0x2FFFF;
	_ =	strace $0x9FFFFFFF  }
0xc2: {  	(tm) =	ssettm $0x7FFFFFFF  }
0xc3: {  	_ =	shalt  }
tec
execute0_lowered:
.L_overlay_start_1:
0x0: {  	(tag) =	ssettag $0x1  }
0x1: {  	s5 =	rddreg [dreg:$0x0]  }
0x2: {  	s2 =	rddreg [dreg:$0x1];
	s3 =	simm.s32 $0x0;
	s0 =	stileid.u32  }
0x3: {  	s4 =	srdreg.scid;
	s17 =	simm.s32 $0x1;
	s18 =	simm.s32 $0x2  }
0x4: {  	s19 =	simm.s32 $0x3;
	s20 =	simm.s32 $0x80;
	s21 =	simm.s32 $0x16400  }
0x5: {  	s22 =	simm.s32 $0x1A400;
	s23 =	simm.s32 $0x4;
	s24 =	simm.s32 $0x14F80  }
0x6: {  	s25 =	simm.s32 $0x16300;
	s28 =	simm.s32 $0x0;
	[smem:$0x7FF] =	sst s3  }
0x7: {  	s6 =	smul.u32 $0x2780, s0;
	s7 =	sand.u32 $0x1, s4;
	s10 =	sadd.s32 $0xB800, s5  }
0x8: {  	s11 =	sadd.s32 $0x1800, s5;
	s4 =	sadd.s32 $0x15800, s5;
	s13 =	smul.u32 $0x4F000, s0  }
0x9: {  	_ =	strace $0x8000004A;
	s8 =	smul.u32 $0x27800, s7;
	s26 =	ssub.s32 $0x2, s7  }
0xa: {  	s7 =	sshll.u32 s7, $0x4;
	s9 =	sadd.s32 s6, s5;
	s12 =	sshrl.u32 s26, $0x1  }
0xb: {  	s29 =	sor.u32 s0, s7;
	s30 =	sshrl.u32 s13, $0x2;
	s6 =	sadd.s32 s6, s8  }
0xc: {  	s15 =	ssub.s32 s26, s12;
	s31 =	smul.u32 $0x500, s29;
	s16 =	sadd.s32 s30, s2  }
0xd: {  	s26 =	simm.s32 $0x16380;
	s14 =	sadd.s32 s6, s5;
	s5 =	sshll.u32 s0, $0x6  }
0xe: {  	s6 =	sadd.s32 $0x3CA00, s9;
	s13 =	smax.u32 s15, $0x1;
	s15 =	simm.s32 $0x13C00  }
0xf: {  	s7 =	sor.u32 $0x1C03, s5;
	s8 =	sadd.s32 s10, s31;
	s12 =	sadd.s32 $0x280, s31  }
0x10: {  	s9 =	sadd.s32 s11, s31;
	s10 =	sadd.s32 s10, s12;
	s11 =	sadd.s32 s11, s12  }
0x11: {  	s12 =	sadd.s32 $0x64200, s14;
	s14 =	sshrl.u32 s16, $0x3;
	s16 =	simm.s32 $0x15000  }
.LBB2_1:
0x12: {  	[spmem:s14], [sflag:s7] =	dma.local [hbm:s6], $0x2780  }
0x13: {  	[tilespmem:s15], [sflag:$0x1] =	stream.linear.gather [hbm4b:s8+s3], $0x1400, $0x38;
	[tilespmem:$0x1E400] =	vst v63  }
0x14: {  	_ = 	snop  }
0x15: {  	[tilespmem:s16], [sflag:$0x2] =	stream.linear.gather [hbm4b:s9+s3], $0x1400, $0x38;
	[tilespmem:$0x1E400] =	vst v63  }
0x16: {  	_ =	swait.ge [sflag:s17], $0x1400  }
0x17: {  	[sflag:s17] =	ssyncset.done $0x0  }
0x18: {  	[sflag:s17] =	ssyncadd.s32 $0xFFFFEC00  }
0x19: {  	_ =	swait.ge [sflag:s18], $0x1400  }
0x1a: {  	[sflag:s18] =	ssyncset.done $0x0  }
0x1b: {  	[sflag:s18] =	ssyncadd.s32 $0xFFFFEC00  }
0x1c: {  	_ =	swait.ge [sflag:s19], $0x2780  }
0x1d: {  	[sflag:s19] =	ssyncset.done $0x0  }
0x1e: {  	[sflag:s19] =	ssyncadd.s32 $0xFFFFD880  }
0x1f: {  	[bflag:$0x0] =	sbarrier.arrive $0xFFFF  }
0x20: {  	[tilespmem:s21], [sflag:$0x1] =	stream.indirect.gather [hbm4b:s4+s20], $0x80, s15, s20, $0xb8;
	[tilespmem:$0x1E400] =	vst v63  }
0x21: {  	s29 =	simm.s32 $0x13C80  }
0x22: {  	[tilespmem:s22], [sflag:$0x2] =	stream.indirect.gather [hbm4b:s4+s20], $0x80, s29, s20, $0xb8;
	[tilespmem:$0x1E400] =	vst v63  }
0x23: {  	_ =	swait.ge [sflag:s17], $0x4000  }
0x24: {  	[sflag:s17] =	ssyncset.done $0x0  }
0x25: {  	s29 =	simm.s32 $0x15000;
	[sflag:s17] =	ssyncadd.s32 $0xFFFFC000  }
0x26: {  	[spmem:s2] =	stream.indirect.scatter.add.f32 [tilespmem:s21], [sflag:$0x4], $0x80, s29, s20, $0xb8;
	[tilespmem:$0x1E400] =	vst v63  }
0x27: {  	_ =	swait.ge [sflag:s23], $0x4000  }
0x28: {  	[sflag:s23] =	ssyncset.done $0x0  }
0x29: {  	s29 =	simm.s32 $0x13D00;
	[sflag:s23] =	ssyncadd.s32 $0xFFFFC000  }
0x2a: {  	[tilespmem:s21], [sflag:$0x1] =	stream.indirect.gather [hbm4b:s4+s20], $0x80, s29, s20, $0xb8;
	[tilespmem:$0x1E400] =	vst v63  }
0x2b: {  	_ =	swait.ge [sflag:s18], $0x4000  }
0x2c: {  	[sflag:s18] =	ssyncset.done $0x0  }
0x2d: {  	s29 =	simm.s32 $0x15080;
	[sflag:s18] =	ssyncadd.s32 $0xFFFFC000  }
0x2e: {  	[spmem:s2] =	stream.indirect.scatter.add.f32 [tilespmem:s22], [sflag:$0x4], $0x80, s29, s20, $0xb8;
	[tilespmem:$0x1E400] =	vst v63  }
0x2f: {  	_ =	swait.ge [sflag:s23], $0x4000  }
0x30: {  	s30 =	simm.s32 $0x800;
	s29 =	simm.s32 $0x100;
	[sflag:s23] =	ssyncset.done $0x0  }
.LBB2_2:
0x31: {  	s31 =	sadd.s32 $0x13C80, s29  }
0x32: {  	[sflag:s23] =	ssyncadd.s32 $0xFFFFC000;
	s0 =	smov.u32 s30;
	s1 =	sadd.s32 $0x400, s30  }
0x33: {  	[tilespmem:s22], [sflag:$0x2] =	stream.indirect.gather [hbm4b:s4+s20], $0x80, s31, s20, $0xb8;
	[tilespmem:$0x1E400] =	vst v63  }
0x34: {  	p0 =	sne.s32 s30, $0x4800;
	_ =	swait.ge [sflag:s17], $0x4000  }
0x35: {  	[sflag:s17] =	ssyncset.done $0x0  }
0x36: {  	s30 =	sadd.s32 $0x15000, s29;
	[sflag:s17] =	ssyncadd.s32 $0xFFFFC000  }
0x37: {  	[spmem:s2] =	stream.indirect.scatter.add.f32 [tilespmem:s21], [sflag:$0x4], $0x80, s30, s20, $0xb8;
	[tilespmem:$0x1E400] =	vst v63  }
0x38: {  	_ =	swait.ge [sflag:s23], $0x4000  }
0x39: {  	[sflag:s23] =	ssyncset.done $0x0  }
0x3a: {  	s30 =	sadd.s32 $0x13D00, s29;
	[sflag:s23] =	ssyncadd.s32 $0xFFFFC000  }
0x3b: {  	[tilespmem:s21], [sflag:$0x1] =	stream.indirect.gather [hbm4b:s4+s20], $0x80, s30, s20, $0xb8;
	[tilespmem:$0x1E400] =	vst v63  }
0x3c: {  	_ =	swait.ge [sflag:s18], $0x4000  }
.Ltmp0:
0x3d: {  	[sflag:s18] =	ssyncset.done $0x0;
	(pc) =	sbr.rel @p0 .LBB2_2-.Ltmp0, $4  }
0x3e: {  	s29 =	sadd.s32 $0x15080, s29;
	[sflag:s18] =	ssyncadd.s32 $0xFFFFC000  }
0x3f: {  	[spmem:s2] =	stream.indirect.scatter.add.f32 [tilespmem:s22], [sflag:$0x4], $0x80, s29, s20, $0xb8;
	[tilespmem:$0x1E400] =	vst v63  }
0x40: {  	_ =	swait.ge [sflag:s23], $0x4000  }
0x41: {  	s30 =	smov.u32 s1;
	s29 =	sshra.s32 s0, $0x2;
	[sflag:s23] =	ssyncset.done $0x0  }
0x42: {  	s0 =	sadd.s32 $0x13C80, s29;
	[sflag:s23] =	ssyncadd.s32 $0xFFFFC000  }
0x43: {  	[tilespmem:s22], [sflag:$0x2] =	stream.indirect.gather [hbm4b:s4+s20], $0x80, s0, s20, $0xb8;
	[tilespmem:$0x1E400] =	vst v63  }
0x44: {  	_ =	swait.ge [sflag:s17], $0x4000  }
0x45: {  	[sflag:s17] =	ssyncset.done $0x0  }
0x46: {  	s1 =	sadd.s32 $0x15000, s29;
	[sflag:s17] =	ssyncadd.s32 $0xFFFFC000  }
0x47: {  	[spmem:s2] =	stream.indirect.scatter.add.f32 [tilespmem:s21], [sflag:$0x4], $0x80, s1, s20, $0xb8;
	[tilespmem:$0x1E400] =	vst v63  }
0x48: {  	_ =	swait.ge [sflag:s23], $0x4000  }
0x49: {  	[sflag:s23] =	ssyncset.done $0x0  }
0x4a: {  	s31 =	sadd.s32 $0x13D00, s29;
	[sflag:s23] =	ssyncadd.s32 $0xFFFFC000  }
0x4b: {  	[tilespmem:s21], [sflag:$0x1] =	stream.indirect.gather [hbm4b:s4+s20], $0x80, s31, s20, $0xb8;
	[tilespmem:$0x1E400] =	vst v63  }
0x4c: {  	_ =	swait.ge [sflag:s18], $0x4000  }
0x4d: {  	[sflag:s18] =	ssyncset.done $0x0  }
0x4e: {  	s1 =	sadd.s32 $0x15080, s29;
	[sflag:s18] =	ssyncadd.s32 $0xFFFFC000  }
0x4f: {  	[spmem:s2] =	stream.indirect.scatter.add.f32 [tilespmem:s22], [sflag:$0x4], $0x80, s1, s20, $0xb8;
	[tilespmem:$0x1E400] =	vst v63  }
0x50: {  	_ =	swait.ge [sflag:s23], $0x4000  }
0x51: {  	[sflag:s23] =	ssyncset.done $0x0  }
0x52: {  	[sflag:s23] =	ssyncadd.s32 $0xFFFFC000  }
0x53: {  	[tilespmem:s22], [sflag:$0x2] =	stream.indirect.gather [hbm4b:s4+s20], $0x80, s24, s20, $0xb8;
	[tilespmem:$0x1E400] =	vst v63  }
0x54: {  	_ =	swait.ge [sflag:s17], $0x4000  }
0x55: {  	[sflag:s17] =	ssyncset.done $0x0  }
0x56: {  	[sflag:s17] =	ssyncadd.s32 $0xFFFFC000  }
0x57: {  	[spmem:s2] =	stream.indirect.scatter.add.f32 [tilespmem:s21], [sflag:$0x4], $0x80, s25, s20, $0xb8;
	[tilespmem:$0x1E400] =	vst v63  }
0x58: {  	_ =	swait.ge [sflag:s23], $0x4000  }
0x59: {  	[sflag:s23] =	ssyncset.done $0x0  }
0x5a: {  	[sflag:s23] =	ssyncadd.s32 $0xFFFFC000  }
0x5b: {  	[tilespmem:s21], [sflag:$0x1] =	stream.indirect.gather [hbm4b:s4+s20], $0x80, s24, s20, $0xb8;
	[tilespmem:$0x1E400] =	vst v63  }
0x5c: {  	_ =	swait.ge [sflag:s18], $0x4000  }
0x5d: {  	[sflag:s18] =	ssyncset.done $0x0  }
0x5e: {  	[sflag:s18] =	ssyncadd.s32 $0xFFFFC000  }
0x5f: {  	[spmem:s2] =	stream.indirect.scatter.add.f32 [tilespmem:s22], [sflag:$0x4], $0x80, s26, s20, $0xb8;
	[tilespmem:$0x1E400] =	vst v63  }
0x60: {  	_ =	swait.ge [sflag:s23], $0x4000  }
0x61: {  	[sflag:s23] =	ssyncset.done $0x0  }
0x62: {  	[sflag:s23] =	ssyncadd.s32 $0xFFFFC000  }
0x63: {  	_ =	swait.ge [sflag:s17], $0x4000  }
0x64: {  	[sflag:s17] =	ssyncset.done $0x0  }
0x65: {  	s31 =	simm.s32 $0x0;
	[sflag:s17] =	ssyncadd.s32 $0xFFFFC000  }
0x66: {  	[tilespmem:s15], [sflag:$0x4] =	stream.linear.gather [hbm4b:s10+s31], $0x1400, $0x38;
	[tilespmem:$0x1E400] =	vst v63  }
0x67: {  	_ =	swait.ge [sflag:s23], $0x1400  }
0x68: {  	[sflag:s23] =	ssyncset.done $0x0  }
0x69: {  	[sflag:s23] =	ssyncadd.s32 $0xFFFFEC00  }
0x6a: {  	[tilespmem:s16], [sflag:$0x4] =	stream.linear.gather [hbm4b:s11+s31], $0x1400, $0x38;
	[tilespmem:$0x1E400] =	vst v63  }
0x6b: {  	_ =	swait.ge [sflag:s23], $0x1400  }
0x6c: {  	[sflag:s23] =	ssyncset.done $0x0  }
0x6d: {  	[sflag:s23] =	ssyncadd.s32 $0xFFFFEC00  }
0x6e: {  	[tilespmem:s21], [sflag:$0x1] =	stream.indirect.gather [hbm4b:s4+s20], $0x80, s15, s20, $0xb8;
	[tilespmem:$0x1E400] =	vst v63  }
0x6f: {  	s1 =	simm.s32 $0x13C80  }
0x70: {  	[tilespmem:s22], [sflag:$0x2] =	stream.indirect.gather [hbm4b:s4+s20], $0x80, s1, s20, $0xb8;
	[tilespmem:$0x1E400] =	vst v63  }
0x71: {  	_ =	swait.ge [sflag:s17], $0x4000  }
0x72: {  	[sflag:s17] =	ssyncset.done $0x0  }
0x73: {  	s31 =	simm.s32 $0x15000;
	[sflag:s17] =	ssyncadd.s32 $0xFFFFC000  }
0x74: {  	[spmem:s2] =	stream.indirect.scatter.add.f32 [tilespmem:s21], [sflag:$0x4], $0x80, s31, s20, $0xb8;
	[tilespmem:$0x1E400] =	vst v63  }
0x75: {  	_ =	swait.ge [sflag:s23], $0x4000  }
0x76: {  	[sflag:s23] =	ssyncset.done $0x0  }
0x77: {  	s1 =	simm.s32 $0x13D00;
	[sflag:s23] =	ssyncadd.s32 $0xFFFFC000  }
0x78: {  	[tilespmem:s21], [sflag:$0x1] =	stream.indirect.gather [hbm4b:s4+s20], $0x80, s1, s20, $0xb8;
	[tilespmem:$0x1E400] =	vst v63  }
0x79: {  	_ =	swait.ge [sflag:s18], $0x4000  }
0x7a: {  	[sflag:s18] =	ssyncset.done $0x0  }
0x7b: {  	s31 =	simm.s32 $0x15080;
	[sflag:s18] =	ssyncadd.s32 $0xFFFFC000  }
0x7c: {  	[spmem:s2] =	stream.indirect.scatter.add.f32 [tilespmem:s22], [sflag:$0x4], $0x80, s31, s20, $0xb8;
	[tilespmem:$0x1E400] =	vst v63  }
0x7d: {  	_ =	swait.ge [sflag:s23], $0x4000  }
0x7e: {  	s30 =	simm.s32 $0x800;
	s29 =	simm.s32 $0x100;
	[sflag:s23] =	ssyncset.done $0x0  }
.LBB2_4:
0x7f: {  	s0 =	sadd.s32 $0x13C80, s29  }
0x80: {  	[sflag:s23] =	ssyncadd.s32 $0xFFFFC000;
	s1 =	smov.u32 s30;
	s31 =	sadd.s32 $0x400, s30  }
0x81: {  	[tilespmem:s22], [sflag:$0x2] =	stream.indirect.gather [hbm4b:s4+s20], $0x80, s0, s20, $0xb8;
	[tilespmem:$0x1E400] =	vst v63  }
0x82: {  	p0 =	sne.s32 s30, $0x4800;
	_ =	swait.ge [sflag:s17], $0x4000  }
0x83: {  	[sflag:s17] =	ssyncset.done $0x0  }
0x84: {  	s0 =	sadd.s32 $0x15000, s29;
	[sflag:s17] =	ssyncadd.s32 $0xFFFFC000  }
0x85: {  	[spmem:s2] =	stream.indirect.scatter.add.f32 [tilespmem:s21], [sflag:$0x4], $0x80, s0, s20, $0xb8;
	[tilespmem:$0x1E400] =	vst v63  }
0x86: {  	_ =	swait.ge [sflag:s23], $0x4000  }
0x87: {  	[sflag:s23] =	ssyncset.done $0x0  }
0x88: {  	s0 =	sadd.s32 $0x13D00, s29;
	[sflag:s23] =	ssyncadd.s32 $0xFFFFC000  }
0x89: {  	[tilespmem:s21], [sflag:$0x1] =	stream.indirect.gather [hbm4b:s4+s20], $0x80, s0, s20, $0xb8;
	[tilespmem:$0x1E400] =	vst v63  }
0x8a: {  	_ =	swait.ge [sflag:s18], $0x4000  }
.Ltmp1:
0x8b: {  	[sflag:s18] =	ssyncset.done $0x0;
	(pc) =	sbr.rel @p0 .LBB2_4-.Ltmp1, $4  }
0x8c: {  	s0 =	sadd.s32 $0x15080, s29;
	[sflag:s18] =	ssyncadd.s32 $0xFFFFC000  }
0x8d: {  	[spmem:s2] =	stream.indirect.scatter.add.f32 [tilespmem:s22], [sflag:$0x4], $0x80, s0, s20, $0xb8;
	[tilespmem:$0x1E400] =	vst v63  }
0x8e: {  	_ =	swait.ge [sflag:s23], $0x4000  }
0x8f: {  	s30 =	smov.u32 s31;
	s29 =	sshra.s32 s1, $0x2;
	[sflag:s23] =	ssyncset.done $0x0  }
0x90: {  	s0 =	sadd.s32 $0x13C80, s29;
	[sflag:s23] =	ssyncadd.s32 $0xFFFFC000  }
0x91: {  	[tilespmem:s22], [sflag:$0x2] =	stream.indirect.gather [hbm4b:s4+s20], $0x80, s0, s20, $0xb8;
	[tilespmem:$0x1E400] =	vst v63  }
0x92: {  	_ =	swait.ge [sflag:s17], $0x4000  }
0x93: {  	[sflag:s17] =	ssyncset.done $0x0  }
0x94: {  	s31 =	sadd.s32 $0x15000, s29;
	[sflag:s17] =	ssyncadd.s32 $0xFFFFC000  }
0x95: {  	[spmem:s2] =	stream.indirect.scatter.add.f32 [tilespmem:s21], [sflag:$0x4], $0x80, s31, s20, $0xb8;
	[tilespmem:$0x1E400] =	vst v63  }
0x96: {  	_ =	swait.ge [sflag:s23], $0x4000  }
0x97: {  	[sflag:s23] =	ssyncset.done $0x0  }
0x98: {  	s1 =	sadd.s32 $0x13D00, s29;
	[sflag:s23] =	ssyncadd.s32 $0xFFFFC000  }
0x99: {  	[tilespmem:s21], [sflag:$0x1] =	stream.indirect.gather [hbm4b:s4+s20], $0x80, s1, s20, $0xb8;
	[tilespmem:$0x1E400] =	vst v63  }
0x9a: {  	_ =	swait.ge [sflag:s18], $0x4000  }
0x9b: {  	[sflag:s18] =	ssyncset.done $0x0  }
0x9c: {  	s30 =	sadd.s32 $0x15080, s29;
	[sflag:s18] =	ssyncadd.s32 $0xFFFFC000  }
0x9d: {  	[spmem:s2] =	stream.indirect.scatter.add.f32 [tilespmem:s22], [sflag:$0x4], $0x80, s30, s20, $0xb8;
	[tilespmem:$0x1E400] =	vst v63  }
0x9e: {  	_ =	swait.ge [sflag:s23], $0x4000  }
0x9f: {  	[sflag:s23] =	ssyncset.done $0x0  }
0xa0: {  	[sflag:s23] =	ssyncadd.s32 $0xFFFFC000  }
0xa1: {  	[tilespmem:s22], [sflag:$0x2] =	stream.indirect.gather [hbm4b:s4+s20], $0x80, s24, s20, $0xb8;
	[tilespmem:$0x1E400] =	vst v63  }
0xa2: {  	_ =	swait.ge [sflag:s17], $0x4000  }
0xa3: {  	[sflag:s17] =	ssyncset.done $0x0  }
0xa4: {  	[sflag:s17] =	ssyncadd.s32 $0xFFFFC000  }
0xa5: {  	[spmem:s2] =	stream.indirect.scatter.add.f32 [tilespmem:s21], [sflag:$0x4], $0x80, s25, s20, $0xb8;
	[tilespmem:$0x1E400] =	vst v63  }
0xa6: {  	_ =	swait.ge [sflag:s23], $0x4000  }
0xa7: {  	[sflag:s23] =	ssyncset.done $0x0  }
0xa8: {  	[sflag:s23] =	ssyncadd.s32 $0xFFFFC000  }
0xa9: {  	[tilespmem:s21], [sflag:$0x1] =	stream.indirect.gather [hbm4b:s4+s20], $0x80, s24, s20, $0xb8;
	[tilespmem:$0x1E400] =	vst v63  }
0xaa: {  	_ =	swait.ge [sflag:s18], $0x4000  }
0xab: {  	[sflag:s18] =	ssyncset.done $0x0  }
0xac: {  	[sflag:s18] =	ssyncadd.s32 $0xFFFFC000  }
0xad: {  	[spmem:s2] =	stream.indirect.scatter.add.f32 [tilespmem:s22], [sflag:$0x4], $0x80, s26, s20, $0xb8;
	[tilespmem:$0x1E400] =	vst v63  }
0xae: {  	_ =	swait.ge [sflag:s23], $0x4000  }
0xaf: {  	[sflag:s23] =	ssyncset.done $0x0  }
0xb0: {  	[sflag:s23] =	ssyncadd.s32 $0xFFFFC000  }
0xb1: {  	_ =	swait.ge [sflag:s17], $0x4000  }
0xb2: {  	s28 =	sadd.s32 $0x1, s28;
	[sflag:s17] =	ssyncset.done $0x0  }
0xb3: {  	p0 =	sne.s32 s28, s13;
	[sflag:s17] =	ssyncadd.s32 $0xFFFFC000  }
.Ltmp2:
0xb4: {  	s31 =	sor.u32 $0x1C04, s5;
	[bflag:$0x0] =	sbarrier.arrive $0xFFFF;
	(pc) =	sbr.rel @p0 .LBB2_1-.Ltmp2, $4  }
0xb5: {  	[hbm:s12], [sflag:s31] =	dma.local [spmem:s14], $0x2780  }
0xb6: {  	_ =	swait.ge [sflag:s23], $0x2780  }
0xb7: {  	[sflag:s23] =	ssyncset.done $0x0  }
0xb8: {  	[sflag:s23] =	ssyncadd.s32 $0xFFFFD880  }
0xb9: {  	_ =	sfence.sel $0x180000  }
0xba: {  	[bflag:$0x0] =	sbarrier.arrive $0xFFFF  }
0xbb: {  	_ =	strace $0x9000004A  }
0xbc: {  	s0 =	stileid.u32;
	[bflag:$0x2] =	sbarrier.arrive $0xFFFF  }
0xbd: {  	p0 =	sne.s32 s0, $0x0;
	s0 =	rddreg [dreg:$0x2]  }
0xbe: {  	s0 =	sadd.s32 @!p0 $0x100000, s0  }
0xbf: {  	[sflag:s0] =	ssyncadd.tile.s32 @!p0 $0x1;
	_ =	shalt  }
.Lfunc_end2:
_tile_overlayer_lowered:
.L_overlay_start_2:
0xc0: {  	(tag) =	ssettag $0x2  }
0xc1: {  	s0 =	rddreg [dreg:$0x0];
	s2 =	stileid.u32  }
0xc2: {  	s1 =	rddreg [dreg:$0x1];
	p0 =	sne.s32 s2, $0x0  }
0xc3: {  	s3 =	rddreg [dreg:$0x2];
	[bflag:$0x3] =	sbarrier.arrive $0xFFFF;
	s2 =	simm.s32 @!p0 $0x1C04  }
0xc4: {  	[timem:s3], [sflag:s2] =	dma.local @!p0 [hbm:s0], s1  }
0xc5: {  	s0 =	simm.s32 @!p0 $0x4  }
0xc6: {  	_ =	swait.ge @!p0 [sflag:s0], s1  }
0xc7: {  	s1 =	ssub.s32 @!p0 $0x0, s1;
	[sflag:s0] =	ssyncset.done @!p0 $0x0  }
0xc8: {  	[sflag:s0] =	ssyncadd.s32 @!p0 s1  }
0xc9: {  	[bflag:$0x3] =	sbarrier.arrive $0xFFFF  }
0xca: {  	_ =	shalt  }

// kernel: kernel.7.cloned.1.call-start
scs
__scs_entry_jumppad:
0x0: {  	(pc) =	sbr.rel $0x88, $3  }
0x1: {  	(tag) =	ssettag $0x0;
	lr =	simm.s32 $0x1  }
0x2: {  	[smem:$0x3F98] =	sst lr;
	_ =	strace $0xD0000000  }
0x3: {  	_ = 	snop  }
0x4: {  	_ = 	snop  }
0x5: {  	_ = 	snop  }
0x6: {  	_ = 	snop  }
0x7: {  	_ = 	snop  }
__scs_overlays_trampoline_lowered:
0x8: {  	[smem:$0x3FA7] =	sst s0  }
0x9: {  	[smem:$0x3FA8] =	sst s1  }
0xa: {  	[smem:$0x3FA9] =	sst s2  }
0xb: {  	[smem:$0x3FAA] =	sst s3  }
0xc: {  	[smem:$0x3FAB] =	sst s4  }
0xd: {  	[smem:$0x3FAC] =	sst s5  }
0xe: {  	[smem:$0x3FAD] =	sst s6  }
0xf: {  	[smem:$0x3FAE] =	sst s7  }
0x10: {  	[smem:$0x3FAF] =	sst s8  }
0x11: {  	[smem:$0x3FB0] =	sst s9;
	s0 =	simm.s32 @!p0 $0x0  }
0x12: {  	s1 =	sld [smem:$0x3F96];
	s0 =	simm.s32 @p0 $0x1  }
0x13: {  	[smem:$0x3FB1] =	sst s0;
	s0 =	simm.s32 @!p1 $0x0  }
0x14: {  	s2 =	sld [smem:$0x3F95];
	s0 =	simm.s32 @p1 $0x1  }
0x15: {  	[smem:$0x3FB2] =	sst s0;
	s0 =	simm.s32 @!p2 $0x0  }
0x16: {  	s3 =	sld [smem:$0x3FDB];
	s0 =	simm.s32 @p2 $0x1  }
0x17: {  	s4 =	simm.s32 $0x1BF5;
	[smem:$0x3FB4] =	sst s0  }
0x18: {  	s0 =	sld [smem:$0x3F97];
	_ =	swait.ge [sflag:s4], $0x0  }
0x19: {  	s7 =	sld [smem:$0x3F98]  }
0x1a: {  	s8 =	sadd.s32 $0xFFFFE003, lr  }
0x1b: {  	s9 =	sadd.s32 $0xFFFFFEF7, lr;
	s5 =	simm.s32 $0xFFFFFFFF;
	p2 =	slt.u32 s8, $0xFFFFF086  }
0x1c: {  	p1 =	slt.u32 s9, $0xF7A;
	s5 =	simm.s32 @!p2 $0x0  }
0x1d: {  	s5 =	simm.s32 @p1 $0x1;
	p0 =	seq.s32 s7, s2  }
0x1e: {  	s7 =	smul.u32 @!p0 $0xF7A, s2;
	p2 =	seq.s32 @!p0 s5, $0x0  }
0x1f: {  	s9 =	smul.u32 $0xF7A, s1;
	s8 =	simm.s32 @!p0 $0x1BF5;
	p2 =	por !p2, p0  }
0x20: {  	[sflag:s8] =	ssyncset.s32 @!p0 $0xFFFFF086;
	s6 =	sadd.s32 @!p0 s3, s7;
	s7 =	simm.s32 @!p0 $0x108  }
0x21: {  	s3 =	sadd.s32 s3, s9;
	s6 =	sadd.s32 @!p0 $0x88, s6;
	s7 =	simm.s32 @p2 $0x1082  }
0x22: {  	[simem:s7], [sflag:s8] =	dma.local @!p0 [hbm:s6], $0xF7A  }
0x23: {  	s9 =	sor.u32 $0xD0000000, s2;
	s6 =	simm.s32 $0x108;
	_ =	swait.ge @!p0 [sflag:s8], $0x0  }
0x24: {  	s3 =	sadd.s32 $0x88, s3;
	s6 =	simm.s32 @!p1 $0x1082;
	[sflag:s4] =	ssyncset.s32 $0xFFFFF086  }
0x25: {  	[simem:s6], [sflag:s4] =	dma.local [hbm:s3], $0xF7A  }
0x26: {  	[smem:$0x3F98] =	sst s1;
	(tag) =	ssettag s2;
	_ =	strace s9  }
0x27: {  	s1 =	sld [smem:$0x3FA8]  }
0x28: {  	s2 =	sld [smem:$0x3FA9]  }
0x29: {  	s4 =	sld [smem:$0x3FAB]  }
0x2a: {  	p0 =	seq.s32 s5, $0x0;
	s5 =	sld [smem:$0x3FAC]  }
0x2b: {  	s6 =	sld [smem:$0x3FAD]  }
0x2c: {  	s7 =	sld [smem:$0x3FAE]  }
0x2d: {  	s3 =	simm.s32 $0x108;
	s8 =	sld [smem:$0x3FAF]  }
0x2e: {  	s3 =	simm.s32 @!p0 $0x1082;
	s9 =	sld [smem:$0x3FB0]  }
0x2f: {  	lr =	sadd.s32 s0, s3;
	s0 =	sld [smem:$0x3FA7]  }
0x30: {  	s3 =	sld [smem:$0x3FAA]  }
0x31: {  	[smem:$0x3FB3] =	sst s10  }
0x32: {  	s10 =	sld [smem:$0x3FB1];
	_ =	sdelay $0x3  }
0x33: {  	p0 =	seq.s32 s10, $0x1;
	s10 =	sld [smem:$0x3FB3];
	_ =	sdelay $0x3  }
0x34: {  	[smem:$0x3FB3] =	sst s10  }
0x35: {  	s10 =	sld [smem:$0x3FB2];
	_ =	sdelay $0x3  }
0x36: {  	p1 =	seq.s32 s10, $0x1;
	s10 =	sld [smem:$0x3FB3];
	_ =	sdelay $0x3  }
0x37: {  	[smem:$0x3FB3] =	sst s10  }
0x38: {  	s10 =	sld [smem:$0x3FB4]  }
0x39: {  	_ = 	snop;
	(pc) =	sbr.ind lr, $3  }
0x3a: {  	_ = 	snop  }
0x3b: {  	_ = 	snop  }
0x3c: {  	p2 =	seq.s32 s10, $0x1;
	s10 =	sld [smem:$0x3FB3]  }
0x3d: {  	_ =	shalt  }
0x3e: {  	_ =	shalt  }
0x3f: {  	_ =	shalt  }
0x40: {  	_ =	shalt  }
0x41: {  	_ =	shalt  }
0x42: {  	_ =	shalt  }
0x43: {  	_ =	shalt  }
0x44: {  	_ =	shalt  }
0x45: {  	_ =	shalt  }
0x46: {  	_ =	shalt  }
0x47: {  	_ =	shalt  }
0x48: {  	_ =	shalt  }
0x49: {  	_ =	shalt  }
0x4a: {  	_ =	shalt  }
0x4b: {  	_ =	shalt  }
0x4c: {  	_ =	shalt  }
0x4d: {  	_ =	shalt  }
0x4e: {  	_ =	shalt  }
0x4f: {  	_ =	shalt  }
0x50: {  	_ =	shalt  }
0x51: {  	_ =	shalt  }
0x52: {  	_ =	shalt  }
0x53: {  	_ =	shalt  }
0x54: {  	_ =	shalt  }
0x55: {  	_ =	shalt  }
0x56: {  	_ =	shalt  }
0x57: {  	_ =	shalt  }
0x58: {  	_ =	shalt  }
0x59: {  	_ =	shalt  }
0x5a: {  	_ =	shalt  }
0x5b: {  	_ =	shalt  }
0x5c: {  	_ =	shalt  }
0x5d: {  	_ =	shalt  }
0x5e: {  	_ =	shalt  }
0x5f: {  	_ =	shalt  }
0x60: {  	_ =	shalt  }
0x61: {  	_ =	shalt  }
0x62: {  	_ =	shalt  }
0x63: {  	_ =	shalt  }
0x64: {  	_ =	shalt  }
0x65: {  	_ =	shalt  }
0x66: {  	_ =	shalt  }
0x67: {  	_ =	shalt  }
0x68: {  	_ =	shalt  }
0x69: {  	_ =	shalt  }
0x6a: {  	_ =	shalt  }
0x6b: {  	_ =	shalt  }
0x6c: {  	_ =	shalt  }
0x6d: {  	_ =	shalt  }
0x6e: {  	_ =	shalt  }
0x6f: {  	_ =	shalt  }
0x70: {  	_ =	shalt  }
0x71: {  	_ =	shalt  }
0x72: {  	_ =	shalt  }
0x73: {  	_ =	shalt  }
0x74: {  	_ =	shalt  }
0x75: {  	_ =	shalt  }
0x76: {  	_ =	shalt  }
0x77: {  	_ =	shalt  }
0x78: {  	_ =	shalt  }
0x79: {  	_ =	shalt  }
0x7a: {  	_ =	shalt  }
0x7b: {  	_ =	shalt  }
0x7c: {  	_ =	shalt  }
0x7d: {  	_ =	shalt  }
0x7e: {  	_ =	shalt  }
0x7f: {  	_ =	shalt  }
0x80: {  	_ =	shalt  }
0x81: {  	_ =	shalt  }
0x82: {  	_ =	shalt  }
0x83: {  	_ =	shalt  }
0x84: {  	_ =	shalt  }
0x85: {  	_ =	shalt  }
0x86: {  	_ =	shalt  }
0x87: {  	_ =	shalt  }
.Lfunc_end0:
.L_simem_size_0:
called_computation_lowered:
.L_overlay_start_0:
0x88: {  	s2 =	sld [smem:$0x3FD9]  }
0x89: {  	s3 =	sld [smem:$0x3FFE];
	_ =	sdelay $0x1  }
0x8a: {  	s1 =	srdreg.scid  }
0x8b: {  	s0 =	sand.u32 $0x1, s1  }
0x8c: {  	s16 =	sshll.u32 s0, $0xA;
	s2 =	sadd.s32 s3, s2  }
0x8d: {  	s2 =	sadd.s32 s2, s16  }
0x8e: {  	[smem:$0x3FBF] =	sst s2  }
0x8f: {  	_ = 	snop  }
0x90: {  	(tm) =	ssettm $0x1  }
0x91: {  	s17 =	sld [smem:$0x3FFB];
	_ =	sdelay $0x3  }
0x92: {  	_ =	strace s17  }
0x93: {  	s2 =	sld [smem:$0x3FFC];
	_ =	sdelay $0x3  }
0x94: {  	_ =	strace s2  }
0x95: {  	s2 =	sld [smem:$0x3FFD];
	_ =	sdelay $0x3  }
0x96: {  	_ =	strace s2  }
0x97: {  	_ =	strace $0x8FFFFFFF  }
0x98: {  	s18 =	sld [smem:$0x3FDB];
	_ =	sdelay $0x1  }
0x99: {  	s19 =	simm.s32 $_scs_section_size  }
0x9a: {  	s4 =	simm.s32 $_size__tile_overlayer_lowered;
	s5 =	simm.s32 $_tile_overlayer_lowered  }
0x9b: {  	s22 =	simm.s32 $0x1BFF;
	s21 =	sshll.u32 s5, $0x1;
	s2 =	sadd.s32 s19, s18  }
0x9c: {  	s6 =	simm.s32 $0x0;
	s20 =	sshll.u32 s4, $0x1;
	s4 =	sadd.s32 s21, s2  }
0x9d: {  	[timem:s6], [sflag:s22] =	dma.local [hbm:s4], s20  }
0x9e: {  	_ =	swait.ge [sflag:s22], s20  }
0x9f: {  	s3 =	ssub.s32 $0x0, s20;
	[sflag:s22] =	ssyncset.done $0x0  }
0xa0: {  	[sflag:s22] =	ssyncadd.s32 s3;
	_ =	sdelay $0x1  }
0xa1: {  	s23 =	simm.s32 $0x1B8B  }
0xa2: {  	_ =	swait.ge [sflag:s23], $0x1  }
0xa3: {  	[sflag:s23] =	ssyncset.done $0x0  }
0xa4: {  	s25 =	simm.s32 $0x1B8E;
	s24 =	sld [smem:$0x3FFE];
	[sflag:s23] =	ssyncadd.s32 $0xFFFFFFFF  }
0xa5: {  	s26 =	simm.s32 $execute0_lowered;
	[smem:$0x3FD2] =	sst s25  }
0xa6: {  	s4 =	sshll.u32 s26, $0x1;
	_ =	strace $0x80000046;
	[dreg:$0x1] =	wrdreg $0xFFFFFFFF  }
0xa7: {  	s28 =	simm.s32 $_size_execute0_lowered;
	s2 =	sadd.s32 s2, s4;
	[dreg:$0x0] =	wrdreg $0x0  }
0xa8: {  	s4 =	sshll.u32 s28, $0x1;
	[dreg:$0x2] =	wrdreg s2  }
0xa9: {  	[dreg:$0x3] =	wrdreg s4  }
0xaa: {  	[dreg:$0x4] =	wrdreg $0xC0  }
0xab: {  	_ =	task [dreg:s6], $0x5FFFF  }
0xac: {  	[dreg:$0x1] =	wrdreg $0xFFFFFFFF  }
0xad: {  	[dreg:$0x0] =	wrdreg $0x60  }
0xae: {  	[dreg:$0x2] =	wrdreg s24  }
0xaf: {  	[dreg:$0x3] =	wrdreg $0x0  }
0xb0: {  	[dreg:$0x4] =	wrdreg $0x9  }
0xb1: {  	_ =	task.clear_ibuf [dreg:s6], $0x5FFFF;
	_ =	strace $0x90000046  }
0xb2: {  	s29 =	simm.s32 $0x9;
	_ =	strace $0x80000048  }
0xb3: {  	_ =	swait.ge [sflag:s29], $0x1  }
0xb4: {  	[sflag:s29] =	ssyncadd.s32 $0xFFFFFFFF  }
0xb5: {  	_ =	strace $0x90000048  }
0xb6: {  	_ =	sfence  }
0xb7: {  	s30 =	sld [smem:$0x0];
	_ =	sdelay $0x2  }
0xb8: {  	s31 =	sshll.u32 s1, $0xD;
	s1 =	sshrl.u32 s1, $0x2  }
0xb9: {  	s3 =	sand.u32 $0x4000, s31;
	s1 =	sadd.s32 s1, s30  }
0xba: {  	s0 =	sor.u32 s3, s0;
	s1 =	sshll.u32 s1, $0x11  }
0xbb: {  	s0 =	sor.u32 s1, s0  }
0xbc: {  	s0 =	sadd.s32 $0x8F2B, s0  }
0xbd: {  	[sflag:s0] =	ssyncadd.remote.s32 $0x1  }
0xbe: {  	_ =	sfence.sel $0xFFFF  }
0xbf: {  	[dreg:$0x0] =	wrdreg $0xFFFFFFFF;
	(pc) =	sbr.abs _section_cstart, $3  }
0xc0: {  	[dreg:$0x1] =	wrdreg $0xFFFFFFFF  }
0xc1: {  	_ =	task.clear_ibuf [dreg:s6], $0x2FFFF;
	_ =	strace $0x9FFFFFFF  }
0xc2: {  	(tm) =	ssettm $0x7FFFFFFF  }
0xc3: {  	_ =	shalt  }
tec
execute0_lowered:
.L_overlay_start_1:
0x0: {  	(tag) =	ssettag $0x1  }
0x1: {  	s5 =	rddreg [dreg:$0x0]  }
0x2: {  	s2 =	rddreg [dreg:$0x1];
	s3 =	simm.s32 $0x0;
	s0 =	stileid.u32  }
0x3: {  	s4 =	srdreg.scid;
	s17 =	simm.s32 $0x1;
	s18 =	simm.s32 $0x2  }
0x4: {  	s19 =	simm.s32 $0x3;
	s20 =	simm.s32 $0x80;
	s21 =	simm.s32 $0x16400  }
0x5: {  	s22 =	simm.s32 $0x1A400;
	s23 =	simm.s32 $0x4;
	s24 =	simm.s32 $0x14F80  }
0x6: {  	s25 =	simm.s32 $0x16300;
	s28 =	simm.s32 $0x0;
	[smem:$0x7FF] =	sst s3  }
0x7: {  	s6 =	smul.u32 $0x2780, s0;
	s7 =	sand.u32 $0x1, s4;
	s10 =	sadd.s32 $0xB800, s5  }
0x8: {  	s11 =	sadd.s32 $0x1800, s5;
	s4 =	sadd.s32 $0x15800, s5;
	s13 =	smul.u32 $0x4F000, s0  }
0x9: {  	_ =	strace $0x80000047;
	s8 =	smul.u32 $0x27800, s7;
	s26 =	ssub.s32 $0x2, s7  }
0xa: {  	s7 =	sshll.u32 s7, $0x4;
	s9 =	sadd.s32 s6, s5;
	s12 =	sshrl.u32 s26, $0x1  }
0xb: {  	s29 =	sor.u32 s0, s7;
	s30 =	sshrl.u32 s13, $0x2;
	s6 =	sadd.s32 s6, s8  }
0xc: {  	s15 =	ssub.s32 s26, s12;
	s31 =	smul.u32 $0x500, s29;
	s16 =	sadd.s32 s30, s2  }
0xd: {  	s26 =	simm.s32 $0x16380;
	s14 =	sadd.s32 s6, s5;
	s5 =	sshll.u32 s0, $0x6  }
0xe: {  	s6 =	sadd.s32 $0x3CA00, s9;
	s13 =	smax.u32 s15, $0x1;
	s15 =	simm.s32 $0x13C00  }
0xf: {  	s7 =	sor.u32 $0x1C03, s5;
	s8 =	sadd.s32 s10, s31;
	s12 =	sadd.s32 $0x280, s31  }
0x10: {  	s9 =	sadd.s32 s11, s31;
	s10 =	sadd.s32 s10, s12;
	s11 =	sadd.s32 s11, s12  }
0x11: {  	s12 =	sadd.s32 $0x64200, s14;
	s14 =	sshrl.u32 s16, $0x3;
	s16 =	simm.s32 $0x15000  }
.LBB2_1:
0x12: {  	[spmem:s14], [sflag:s7] =	dma.local [hbm:s6], $0x2780  }
0x13: {  	[tilespmem:s15], [sflag:$0x1] =	stream.linear.gather [hbm4b:s8+s3], $0x1400, $0x38;
	[tilespmem:$0x1E400] =	vst v63  }
0x14: {  	_ = 	snop  }
0x15: {  	[tilespmem:s16], [sflag:$0x2] =	stream.linear.gather [hbm4b:s9+s3], $0x1400, $0x38;
	[tilespmem:$0x1E400] =	vst v63  }
0x16: {  	_ =	swait.ge [sflag:s17], $0x1400  }
0x17: {  	[sflag:s17] =	ssyncset.done $0x0  }
0x18: {  	[sflag:s17] =	ssyncadd.s32 $0xFFFFEC00  }
0x19: {  	_ =	swait.ge [sflag:s18], $0x1400  }
0x1a: {  	[sflag:s18] =	ssyncset.done $0x0  }
0x1b: {  	[sflag:s18] =	ssyncadd.s32 $0xFFFFEC00  }
0x1c: {  	_ =	swait.ge [sflag:s19], $0x2780  }
0x1d: {  	[sflag:s19] =	ssyncset.done $0x0  }
0x1e: {  	[sflag:s19] =	ssyncadd.s32 $0xFFFFD880  }
0x1f: {  	[bflag:$0x0] =	sbarrier.arrive $0xFFFF  }
0x20: {  	[tilespmem:s21], [sflag:$0x1] =	stream.indirect.gather [hbm4b:s4+s20], $0x80, s15, s20, $0xb8;
	[tilespmem:$0x1E400] =	vst v63  }
0x21: {  	s29 =	simm.s32 $0x13C80  }
0x22: {  	[tilespmem:s22], [sflag:$0x2] =	stream.indirect.gather [hbm4b:s4+s20], $0x80, s29, s20, $0xb8;
	[tilespmem:$0x1E400] =	vst v63  }
0x23: {  	_ =	swait.ge [sflag:s17], $0x4000  }
0x24: {  	[sflag:s17] =	ssyncset.done $0x0  }
0x25: {  	s29 =	simm.s32 $0x15000;
	[sflag:s17] =	ssyncadd.s32 $0xFFFFC000  }
0x26: {  	[spmem:s2] =	stream.indirect.scatter.add.f32 [tilespmem:s21], [sflag:$0x4], $0x80, s29, s20, $0xb8;
	[tilespmem:$0x1E400] =	vst v63  }
0x27: {  	_ =	swait.ge [sflag:s23], $0x4000  }
0x28: {  	[sflag:s23] =	ssyncset.done $0x0  }
0x29: {  	s29 =	simm.s32 $0x13D00;
	[sflag:s23] =	ssyncadd.s32 $0xFFFFC000  }
0x2a: {  	[tilespmem:s21], [sflag:$0x1] =	stream.indirect.gather [hbm4b:s4+s20], $0x80, s29, s20, $0xb8;
	[tilespmem:$0x1E400] =	vst v63  }
0x2b: {  	_ =	swait.ge [sflag:s18], $0x4000  }
0x2c: {  	[sflag:s18] =	ssyncset.done $0x0  }
0x2d: {  	s29 =	simm.s32 $0x15080;
	[sflag:s18] =	ssyncadd.s32 $0xFFFFC000  }
0x2e: {  	[spmem:s2] =	stream.indirect.scatter.add.f32 [tilespmem:s22], [sflag:$0x4], $0x80, s29, s20, $0xb8;
	[tilespmem:$0x1E400] =	vst v63  }
0x2f: {  	_ =	swait.ge [sflag:s23], $0x4000  }
0x30: {  	s30 =	simm.s32 $0x800;
	s29 =	simm.s32 $0x100;
	[sflag:s23] =	ssyncset.done $0x0  }
.LBB2_2:
0x31: {  	s31 =	sadd.s32 $0x13C80, s29  }
0x32: {  	[sflag:s23] =	ssyncadd.s32 $0xFFFFC000;
	s0 =	smov.u32 s30;
	s1 =	sadd.s32 $0x400, s30  }
0x33: {  	[tilespmem:s22], [sflag:$0x2] =	stream.indirect.gather [hbm4b:s4+s20], $0x80, s31, s20, $0xb8;
	[tilespmem:$0x1E400] =	vst v63  }
0x34: {  	p0 =	sne.s32 s30, $0x4800;
	_ =	swait.ge [sflag:s17], $0x4000  }
0x35: {  	[sflag:s17] =	ssyncset.done $0x0  }
0x36: {  	s30 =	sadd.s32 $0x15000, s29;
	[sflag:s17] =	ssyncadd.s32 $0xFFFFC000  }
0x37: {  	[spmem:s2] =	stream.indirect.scatter.add.f32 [tilespmem:s21], [sflag:$0x4], $0x80, s30, s20, $0xb8;
	[tilespmem:$0x1E400] =	vst v63  }
0x38: {  	_ =	swait.ge [sflag:s23], $0x4000  }
0x39: {  	[sflag:s23] =	ssyncset.done $0x0  }
0x3a: {  	s30 =	sadd.s32 $0x13D00, s29;
	[sflag:s23] =	ssyncadd.s32 $0xFFFFC000  }
0x3b: {  	[tilespmem:s21], [sflag:$0x1] =	stream.indirect.gather [hbm4b:s4+s20], $0x80, s30, s20, $0xb8;
	[tilespmem:$0x1E400] =	vst v63  }
0x3c: {  	_ =	swait.ge [sflag:s18], $0x4000  }
.Ltmp0:
0x3d: {  	[sflag:s18] =	ssyncset.done $0x0;
	(pc) =	sbr.rel @p0 .LBB2_2-.Ltmp0, $4  }
0x3e: {  	s29 =	sadd.s32 $0x15080, s29;
	[sflag:s18] =	ssyncadd.s32 $0xFFFFC000  }
0x3f: {  	[spmem:s2] =	stream.indirect.scatter.add.f32 [tilespmem:s22], [sflag:$0x4], $0x80, s29, s20, $0xb8;
	[tilespmem:$0x1E400] =	vst v63  }
0x40: {  	_ =	swait.ge [sflag:s23], $0x4000  }
0x41: {  	s30 =	smov.u32 s1;
	s29 =	sshra.s32 s0, $0x2;
	[sflag:s23] =	ssyncset.done $0x0  }
0x42: {  	s0 =	sadd.s32 $0x13C80, s29;
	[sflag:s23] =	ssyncadd.s32 $0xFFFFC000  }
0x43: {  	[tilespmem:s22], [sflag:$0x2] =	stream.indirect.gather [hbm4b:s4+s20], $0x80, s0, s20, $0xb8;
	[tilespmem:$0x1E400] =	vst v63  }
0x44: {  	_ =	swait.ge [sflag:s17], $0x4000  }
0x45: {  	[sflag:s17] =	ssyncset.done $0x0  }
0x46: {  	s1 =	sadd.s32 $0x15000, s29;
	[sflag:s17] =	ssyncadd.s32 $0xFFFFC000  }
0x47: {  	[spmem:s2] =	stream.indirect.scatter.add.f32 [tilespmem:s21], [sflag:$0x4], $0x80, s1, s20, $0xb8;
	[tilespmem:$0x1E400] =	vst v63  }
0x48: {  	_ =	swait.ge [sflag:s23], $0x4000  }
0x49: {  	[sflag:s23] =	ssyncset.done $0x0  }
0x4a: {  	s31 =	sadd.s32 $0x13D00, s29;
	[sflag:s23] =	ssyncadd.s32 $0xFFFFC000  }
0x4b: {  	[tilespmem:s21], [sflag:$0x1] =	stream.indirect.gather [hbm4b:s4+s20], $0x80, s31, s20, $0xb8;
	[tilespmem:$0x1E400] =	vst v63  }
0x4c: {  	_ =	swait.ge [sflag:s18], $0x4000  }
0x4d: {  	[sflag:s18] =	ssyncset.done $0x0  }
0x4e: {  	s1 =	sadd.s32 $0x15080, s29;
	[sflag:s18] =	ssyncadd.s32 $0xFFFFC000  }
0x4f: {  	[spmem:s2] =	stream.indirect.scatter.add.f32 [tilespmem:s22], [sflag:$0x4], $0x80, s1, s20, $0xb8;
	[tilespmem:$0x1E400] =	vst v63  }
0x50: {  	_ =	swait.ge [sflag:s23], $0x4000  }
0x51: {  	[sflag:s23] =	ssyncset.done $0x0  }
0x52: {  	[sflag:s23] =	ssyncadd.s32 $0xFFFFC000  }
0x53: {  	[tilespmem:s22], [sflag:$0x2] =	stream.indirect.gather [hbm4b:s4+s20], $0x80, s24, s20, $0xb8;
	[tilespmem:$0x1E400] =	vst v63  }
0x54: {  	_ =	swait.ge [sflag:s17], $0x4000  }
0x55: {  	[sflag:s17] =	ssyncset.done $0x0  }
0x56: {  	[sflag:s17] =	ssyncadd.s32 $0xFFFFC000  }
0x57: {  	[spmem:s2] =	stream.indirect.scatter.add.f32 [tilespmem:s21], [sflag:$0x4], $0x80, s25, s20, $0xb8;
	[tilespmem:$0x1E400] =	vst v63  }
0x58: {  	_ =	swait.ge [sflag:s23], $0x4000  }
0x59: {  	[sflag:s23] =	ssyncset.done $0x0  }
0x5a: {  	[sflag:s23] =	ssyncadd.s32 $0xFFFFC000  }
0x5b: {  	[tilespmem:s21], [sflag:$0x1] =	stream.indirect.gather [hbm4b:s4+s20], $0x80, s24, s20, $0xb8;
	[tilespmem:$0x1E400] =	vst v63  }
0x5c: {  	_ =	swait.ge [sflag:s18], $0x4000  }
0x5d: {  	[sflag:s18] =	ssyncset.done $0x0  }
0x5e: {  	[sflag:s18] =	ssyncadd.s32 $0xFFFFC000  }
0x5f: {  	[spmem:s2] =	stream.indirect.scatter.add.f32 [tilespmem:s22], [sflag:$0x4], $0x80, s26, s20, $0xb8;
	[tilespmem:$0x1E400] =	vst v63  }
0x60: {  	_ =	swait.ge [sflag:s23], $0x4000  }
0x61: {  	[sflag:s23] =	ssyncset.done $0x0  }
0x62: {  	[sflag:s23] =	ssyncadd.s32 $0xFFFFC000  }
0x63: {  	_ =	swait.ge [sflag:s17], $0x4000  }
0x64: {  	[sflag:s17] =	ssyncset.done $0x0  }
0x65: {  	s31 =	simm.s32 $0x0;
	[sflag:s17] =	ssyncadd.s32 $0xFFFFC000  }
0x66: {  	[tilespmem:s15], [sflag:$0x4] =	stream.linear.gather [hbm4b:s10+s31], $0x1400, $0x38;
	[tilespmem:$0x1E400] =	vst v63  }
0x67: {  	_ =	swait.ge [sflag:s23], $0x1400  }
0x68: {  	[sflag:s23] =	ssyncset.done $0x0  }
0x69: {  	[sflag:s23] =	ssyncadd.s32 $0xFFFFEC00  }
0x6a: {  	[tilespmem:s16], [sflag:$0x4] =	stream.linear.gather [hbm4b:s11+s31], $0x1400, $0x38;
	[tilespmem:$0x1E400] =	vst v63  }
0x6b: {  	_ =	swait.ge [sflag:s23], $0x1400  }
0x6c: {  	[sflag:s23] =	ssyncset.done $0x0  }
0x6d: {  	[sflag:s23] =	ssyncadd.s32 $0xFFFFEC00  }
0x6e: {  	[tilespmem:s21], [sflag:$0x1] =	stream.indirect.gather [hbm4b:s4+s20], $0x80, s15, s20, $0xb8;
	[tilespmem:$0x1E400] =	vst v63  }
0x6f: {  	s1 =	simm.s32 $0x13C80  }
0x70: {  	[tilespmem:s22], [sflag:$0x2] =	stream.indirect.gather [hbm4b:s4+s20], $0x80, s1, s20, $0xb8;
	[tilespmem:$0x1E400] =	vst v63  }
0x71: {  	_ =	swait.ge [sflag:s17], $0x4000  }
0x72: {  	[sflag:s17] =	ssyncset.done $0x0  }
0x73: {  	s31 =	simm.s32 $0x15000;
	[sflag:s17] =	ssyncadd.s32 $0xFFFFC000  }
0x74: {  	[spmem:s2] =	stream.indirect.scatter.add.f32 [tilespmem:s21], [sflag:$0x4], $0x80, s31, s20, $0xb8;
	[tilespmem:$0x1E400] =	vst v63  }
0x75: {  	_ =	swait.ge [sflag:s23], $0x4000  }
0x76: {  	[sflag:s23] =	ssyncset.done $0x0  }
0x77: {  	s1 =	simm.s32 $0x13D00;
	[sflag:s23] =	ssyncadd.s32 $0xFFFFC000  }
0x78: {  	[tilespmem:s21], [sflag:$0x1] =	stream.indirect.gather [hbm4b:s4+s20], $0x80, s1, s20, $0xb8;
	[tilespmem:$0x1E400] =	vst v63  }
0x79: {  	_ =	swait.ge [sflag:s18], $0x4000  }
0x7a: {  	[sflag:s18] =	ssyncset.done $0x0  }
0x7b: {  	s31 =	simm.s32 $0x15080;
	[sflag:s18] =	ssyncadd.s32 $0xFFFFC000  }
0x7c: {  	[spmem:s2] =	stream.indirect.scatter.add.f32 [tilespmem:s22], [sflag:$0x4], $0x80, s31, s20, $0xb8;
	[tilespmem:$0x1E400] =	vst v63  }
0x7d: {  	_ =	swait.ge [sflag:s23], $0x4000  }
0x7e: {  	s30 =	simm.s32 $0x800;
	s29 =	simm.s32 $0x100;
	[sflag:s23] =	ssyncset.done $0x0  }
.LBB2_4:
0x7f: {  	s0 =	sadd.s32 $0x13C80, s29  }
0x80: {  	[sflag:s23] =	ssyncadd.s32 $0xFFFFC000;
	s1 =	smov.u32 s30;
	s31 =	sadd.s32 $0x400, s30  }
0x81: {  	[tilespmem:s22], [sflag:$0x2] =	stream.indirect.gather [hbm4b:s4+s20], $0x80, s0, s20, $0xb8;
	[tilespmem:$0x1E400] =	vst v63  }
0x82: {  	p0 =	sne.s32 s30, $0x4800;
	_ =	swait.ge [sflag:s17], $0x4000  }
0x83: {  	[sflag:s17] =	ssyncset.done $0x0  }
0x84: {  	s0 =	sadd.s32 $0x15000, s29;
	[sflag:s17] =	ssyncadd.s32 $0xFFFFC000  }
0x85: {  	[spmem:s2] =	stream.indirect.scatter.add.f32 [tilespmem:s21], [sflag:$0x4], $0x80, s0, s20, $0xb8;
	[tilespmem:$0x1E400] =	vst v63  }
0x86: {  	_ =	swait.ge [sflag:s23], $0x4000  }
0x87: {  	[sflag:s23] =	ssyncset.done $0x0  }
0x88: {  	s0 =	sadd.s32 $0x13D00, s29;
	[sflag:s23] =	ssyncadd.s32 $0xFFFFC000  }
0x89: {  	[tilespmem:s21], [sflag:$0x1] =	stream.indirect.gather [hbm4b:s4+s20], $0x80, s0, s20, $0xb8;
	[tilespmem:$0x1E400] =	vst v63  }
0x8a: {  	_ =	swait.ge [sflag:s18], $0x4000  }
.Ltmp1:
0x8b: {  	[sflag:s18] =	ssyncset.done $0x0;
	(pc) =	sbr.rel @p0 .LBB2_4-.Ltmp1, $4  }
0x8c: {  	s0 =	sadd.s32 $0x15080, s29;
	[sflag:s18] =	ssyncadd.s32 $0xFFFFC000  }
0x8d: {  	[spmem:s2] =	stream.indirect.scatter.add.f32 [tilespmem:s22], [sflag:$0x4], $0x80, s0, s20, $0xb8;
	[tilespmem:$0x1E400] =	vst v63  }
0x8e: {  	_ =	swait.ge [sflag:s23], $0x4000  }
0x8f: {  	s30 =	smov.u32 s31;
	s29 =	sshra.s32 s1, $0x2;
	[sflag:s23] =	ssyncset.done $0x0  }
0x90: {  	s0 =	sadd.s32 $0x13C80, s29;
	[sflag:s23] =	ssyncadd.s32 $0xFFFFC000  }
0x91: {  	[tilespmem:s22], [sflag:$0x2] =	stream.indirect.gather [hbm4b:s4+s20], $0x80, s0, s20, $0xb8;
	[tilespmem:$0x1E400] =	vst v63  }
0x92: {  	_ =	swait.ge [sflag:s17], $0x4000  }
0x93: {  	[sflag:s17] =	ssyncset.done $0x0  }
0x94: {  	s31 =	sadd.s32 $0x15000, s29;
	[sflag:s17] =	ssyncadd.s32 $0xFFFFC000  }
0x95: {  	[spmem:s2] =	stream.indirect.scatter.add.f32 [tilespmem:s21], [sflag:$0x4], $0x80, s31, s20, $0xb8;
	[tilespmem:$0x1E400] =	vst v63  }
0x96: {  	_ =	swait.ge [sflag:s23], $0x4000  }
0x97: {  	[sflag:s23] =	ssyncset.done $0x0  }
0x98: {  	s1 =	sadd.s32 $0x13D00, s29;
	[sflag:s23] =	ssyncadd.s32 $0xFFFFC000  }
0x99: {  	[tilespmem:s21], [sflag:$0x1] =	stream.indirect.gather [hbm4b:s4+s20], $0x80, s1, s20, $0xb8;
	[tilespmem:$0x1E400] =	vst v63  }
0x9a: {  	_ =	swait.ge [sflag:s18], $0x4000  }
0x9b: {  	[sflag:s18] =	ssyncset.done $0x0  }
0x9c: {  	s30 =	sadd.s32 $0x15080, s29;
	[sflag:s18] =	ssyncadd.s32 $0xFFFFC000  }
0x9d: {  	[spmem:s2] =	stream.indirect.scatter.add.f32 [tilespmem:s22], [sflag:$0x4], $0x80, s30, s20, $0xb8;
	[tilespmem:$0x1E400] =	vst v63  }
0x9e: {  	_ =	swait.ge [sflag:s23], $0x4000  }
0x9f: {  	[sflag:s23] =	ssyncset.done $0x0  }
0xa0: {  	[sflag:s23] =	ssyncadd.s32 $0xFFFFC000  }
0xa1: {  	[tilespmem:s22], [sflag:$0x2] =	stream.indirect.gather [hbm4b:s4+s20], $0x80, s24, s20, $0xb8;
	[tilespmem:$0x1E400] =	vst v63  }
0xa2: {  	_ =	swait.ge [sflag:s17], $0x4000  }
0xa3: {  	[sflag:s17] =	ssyncset.done $0x0  }
0xa4: {  	[sflag:s17] =	ssyncadd.s32 $0xFFFFC000  }
0xa5: {  	[spmem:s2] =	stream.indirect.scatter.add.f32 [tilespmem:s21], [sflag:$0x4], $0x80, s25, s20, $0xb8;
	[tilespmem:$0x1E400] =	vst v63  }
0xa6: {  	_ =	swait.ge [sflag:s23], $0x4000  }
0xa7: {  	[sflag:s23] =	ssyncset.done $0x0  }
0xa8: {  	[sflag:s23] =	ssyncadd.s32 $0xFFFFC000  }
0xa9: {  	[tilespmem:s21], [sflag:$0x1] =	stream.indirect.gather [hbm4b:s4+s20], $0x80, s24, s20, $0xb8;
	[tilespmem:$0x1E400] =	vst v63  }
0xaa: {  	_ =	swait.ge [sflag:s18], $0x4000  }
0xab: {  	[sflag:s18] =	ssyncset.done $0x0  }
0xac: {  	[sflag:s18] =	ssyncadd.s32 $0xFFFFC000  }
0xad: {  	[spmem:s2] =	stream.indirect.scatter.add.f32 [tilespmem:s22], [sflag:$0x4], $0x80, s26, s20, $0xb8;
	[tilespmem:$0x1E400] =	vst v63  }
0xae: {  	_ =	swait.ge [sflag:s23], $0x4000  }
0xaf: {  	[sflag:s23] =	ssyncset.done $0x0  }
0xb0: {  	[sflag:s23] =	ssyncadd.s32 $0xFFFFC000  }
0xb1: {  	_ =	swait.ge [sflag:s17], $0x4000  }
0xb2: {  	s28 =	sadd.s32 $0x1, s28;
	[sflag:s17] =	ssyncset.done $0x0  }
0xb3: {  	p0 =	sne.s32 s28, s13;
	[sflag:s17] =	ssyncadd.s32 $0xFFFFC000  }
.Ltmp2:
0xb4: {  	s31 =	sor.u32 $0x1C04, s5;
	[bflag:$0x0] =	sbarrier.arrive $0xFFFF;
	(pc) =	sbr.rel @p0 .LBB2_1-.Ltmp2, $4  }
0xb5: {  	[hbm:s12], [sflag:s31] =	dma.local [spmem:s14], $0x2780  }
0xb6: {  	_ =	swait.ge [sflag:s23], $0x2780  }
0xb7: {  	[sflag:s23] =	ssyncset.done $0x0  }
0xb8: {  	[sflag:s23] =	ssyncadd.s32 $0xFFFFD880  }
0xb9: {  	_ =	sfence.sel $0x180000  }
0xba: {  	[bflag:$0x0] =	sbarrier.arrive $0xFFFF  }
0xbb: {  	_ =	strace $0x90000047  }
0xbc: {  	s0 =	stileid.u32;
	[bflag:$0x2] =	sbarrier.arrive $0xFFFF  }
0xbd: {  	p0 =	sne.s32 s0, $0x0;
	s0 =	rddreg [dreg:$0x2]  }
0xbe: {  	s0 =	sadd.s32 @!p0 $0x100000, s0  }
0xbf: {  	[sflag:s0] =	ssyncadd.tile.s32 @!p0 $0x1;
	_ =	shalt  }
.Lfunc_end2:
_tile_overlayer_lowered:
.L_overlay_start_2:
0xc0: {  	(tag) =	ssettag $0x2  }
0xc1: {  	s0 =	rddreg [dreg:$0x0];
	s2 =	stileid.u32  }
0xc2: {  	s1 =	rddreg [dreg:$0x1];
	p0 =	sne.s32 s2, $0x0  }
0xc3: {  	s3 =	rddreg [dreg:$0x2];
	[bflag:$0x3] =	sbarrier.arrive $0xFFFF;
	s2 =	simm.s32 @!p0 $0x1C04  }
0xc4: {  	[timem:s3], [sflag:s2] =	dma.local @!p0 [hbm:s0], s1  }
0xc5: {  	s0 =	simm.s32 @!p0 $0x4  }
0xc6: {  	_ =	swait.ge @!p0 [sflag:s0], s1  }
0xc7: {  	s1 =	ssub.s32 @!p0 $0x0, s1;
	[sflag:s0] =	ssyncset.done @!p0 $0x0  }
0xc8: {  	[sflag:s0] =	ssyncadd.s32 @!p0 s1  }
0xc9: {  	[bflag:$0x3] =	sbarrier.arrive $0xFFFF  }
0xca: {  	_ =	shalt  }

</sc_bundles>
